<compile_context>
chip_gen: v7x
topology: tpu7x:2x2x1
jax: 0.10.2.dev20260603
libtpu: 0.0.44.dev20260713+nightly
codegen_flags: <defaults>
</compile_context>

<pallas_src>
import functools

import jax
import jax.numpy as jnp
from jax import lax
from jax.experimental import pallas as pl
from jax.experimental.pallas import tpu as pltpu
from jax.experimental.pallas import tpu_sc as plsc

BATCH = 16384
FIELDS = 26
EMBED_DIM = 32
N_TOTAL = BATCH * FIELDS

ROW_PACK = 4
TABLE_ROWS = 1000000 // ROW_PACK
TABLE_W = EMBED_DIM * ROW_PACK

NUM_CORES = 2
NUM_SUBCORES = 16
NW = NUM_CORES * NUM_SUBCORES
BLK = 128
N_BLKS = BATCH // BLK
N_UNITS = FIELDS * N_BLKS
U_PER_W = N_UNITS // NW
N_PER_W = U_PER_W * BLK

_mesh = plsc.VectorSubcoreMesh(core_axis_name="c", subcore_axis_name="s")


@functools.partial(
    pl.kernel,
    out_type=jax.ShapeDtypeStruct((FIELDS, EMBED_DIM, BATCH), jnp.float32),
    mesh=_mesh,
    scratch_types=[
        pltpu.VMEM((N_PER_W,), jnp.int32),
        pltpu.VMEM((N_PER_W,), jnp.int32),
        pltpu.VMEM((2 * BLK, TABLE_W), jnp.float32),
        pltpu.VMEM((2 * EMBED_DIM, BLK), jnp.float32),
        pltpu.SemaphoreType.DMA((2,)),
        pltpu.SemaphoreType.DMA((2,)),
    ],
    compiler_params=pltpu.CompilerParams(needs_layout_passes=False),
)
def _gather_kernel(idx_hbm, table_hbm, out_hbm, idx_v, pidx_v, g_v, o_v, gsems, osems):
    wid = lax.axis_index("s") * NUM_CORES + lax.axis_index("c")
    base = wid * N_PER_W
    pltpu.sync_copy(idx_hbm.at[pl.ds(base, N_PER_W)], idx_v)

    def _shift(g, _):
        v = idx_v[pl.ds(g * 16, 16)]
        pidx_v[pl.ds(g * 16, 16)] = lax.shift_right_logical(v, 2)
        return _

    lax.fori_loop(0, N_PER_W // 16, _shift, None)

    def _gather_cp(j, slot):
        return pltpu.make_async_copy(
            table_hbm.at[pidx_v.at[pl.ds(j * BLK, BLK)]],
            g_v.at[pl.ds(slot * BLK, BLK)],
            gsems.at[slot],
        )

    def _out_cp(j, slot):
        u = wid * U_PER_W + j
        f = u // N_BLKS
        blk = u % N_BLKS
        return pltpu.make_async_copy(
            o_v.at[pl.ds(slot * EMBED_DIM, EMBED_DIM)],
            out_hbm.at[f, pl.ds(0, EMBED_DIM), pl.ds(blk * BLK, BLK)],
            osems.at[slot],
        )

    _gather_cp(0, 0).start()

    def _unit(j, _):
        slot = j % 2
        nslot = (j + 1) % 2

        @pl.when(j + 1 < U_PER_W)
        def _():
            _gather_cp(j + 1, nslot).start()

        @pl.when(j >= 2)
        def _():
            _out_cp(j - 2, slot).wait()

        _gather_cp(j, slot).wait()

        @plsc.parallel_loop(0, BLK // 16, unroll=1)
        def _extract(g16):
            bv = g16 * 16 + lax.iota(jnp.int32, 16) + slot * BLK
            subv = idx_v[pl.ds(j * BLK + g16 * 16, 16)] & 3
            colbase = subv * EMBED_DIM
            for c in range(EMBED_DIM):
                v = plsc.load_gather(g_v, [bv, colbase + c])
                o_v[slot * EMBED_DIM + c, pl.ds(g16 * 16, 16)] = v

        _out_cp(j, slot).start()
        return _

    lax.fori_loop(0, U_PER_W, _unit, None)
    _out_cp(U_PER_W - 2, U_PER_W % 2).wait()
    _out_cp(U_PER_W - 1, (U_PER_W - 1) % 2).wait()


def kernel(input_x, embedding_matrix):
    idx = jnp.transpose(input_x).reshape(N_TOTAL)
    table = embedding_matrix.reshape(TABLE_ROWS, TABLE_W)
    out = _gather_kernel(idx, table)
    return jnp.transpose(out, (2, 0, 1))

# --- scband reference (transcript-rebuilt; emitter-appended) ---
"""Pipeline reference for scband-embedding-55138790146329 (READ-ONLY COPY).

The authoritative reference and input builder live on the scoring server;
editing this copy changes nothing except your own understanding.
"""

import jax, jax.numpy as jnp
import numpy as np

VOCAB = 1000000
EMBED_DIM = 32
BATCH = 16384
FIELDS = 26

def setup_inputs(seed: int = 0) -> dict:
    key = jax.random.key(seed)
    k_idx, k_tab = jax.random.split(key)
    input_x = jax.random.randint(k_idx, (BATCH, FIELDS), 0, VOCAB, dtype=jnp.int64 if jax.config.read('jax_enable_x64') else jnp.int32)
    embedding_matrix = jax.random.uniform(k_tab, (VOCAB, EMBED_DIM), dtype=jnp.float32)
    return {"input_x": input_x, "embedding_matrix": embedding_matrix}

def reference(input_x, embedding_matrix):
    # Faithful to: self.embedding_matrix[input_x, :]
    return jnp.take(embedding_matrix, input_x, axis=0)

if __name__ == "__main__":
    import jax
    _d = setup_inputs()
    print(jax.jit(kernel)(*tuple(_d.values())))

</pallas_src>

<mosaic_0001>
#map = affine_map<(d0, d1) -> (0)>
#map1 = affine_map<(d0, d1) -> (0, 0)>
#map2 = affine_map<(d0, d1) -> (0, 0, 0)>
module attributes {stable_mosaic.version = 14 : i64} {
  func.func @_gather_kernel(%arg0: i32, %arg1: i32, %arg2: memref<425984xi32, #tpu.memory_space<hbm>>, %arg3: memref<250000x128xf32, #tpu.memory_space<hbm>>, %arg4: memref<26x32x16384xf32, #tpu.memory_space<hbm>>, %arg5: memref<13312xi32, #tpu.memory_space<vmem>>, %arg6: memref<13312xi32, #tpu.memory_space<vmem>>, %arg7: memref<256x128xf32, #tpu.memory_space<vmem>>, %arg8: memref<64x128xf32, #tpu.memory_space<vmem>>, %arg9: memref<2x!tpu.dma_semaphore, #tpu.memory_space<semaphore_mem>>, %arg10: memref<2x!tpu.dma_semaphore, #tpu.memory_space<semaphore_mem>>) attributes {dimension_semantics = [#tpu.dimension_semantics<core_parallel>, #tpu.dimension_semantics<subcore_parallel>], iteration_bounds = array<i64: 2, 16>, scalar_prefetch = 0 : i64, scratch_operands = 6 : i64, tpu.core_type = #tpu.core_type<sc_vector_subcore>, window_params = [{transform_indices = #map}, {transform_indices = #map1}, {transform_indices = #map2}]} {
    %mul3A = arith.constant 2 : i32
    %mul3A_0 = arith.muli %arg1, %mul3A : i32
    %add3A = arith.addi %mul3A_0, %arg0 : i32
    %mul3A_1 = arith.constant 13312 : i32
    %mul3A_2 = arith.muli %add3A, %mul3A_1 : i32
    "tpu.region"() ({
      %run_scoped3A = tpu.sem_alloc : memref<!tpu.dma_semaphore, #tpu.memory_space<semaphore_mem>>
      %dma_start3A_133 = tpu.memref_slice %arg2[%mul3A_2] : memref<425984xi32, #tpu.memory_space<hbm>> -> memref<13312xi32, #tpu.memory_space<hbm>>
      %dma_start3A_134 = tpu.memref_slice %arg2[%mul3A_2] : memref<425984xi32, #tpu.memory_space<hbm>> -> memref<13312xi32, #tpu.memory_space<hbm>>
      tpu.enqueue_dma source(%dma_start3A_134 : memref<13312xi32, #tpu.memory_space<hbm>>) target(%arg5 : memref<13312xi32, #tpu.memory_space<vmem>>) target_semaphore(%run_scoped3A : memref<!tpu.dma_semaphore, #tpu.memory_space<semaphore_mem>>)
      %dma_wait3A_135 = tpu.memref_slice %arg2[%mul3A_2] : memref<425984xi32, #tpu.memory_space<hbm>> -> memref<13312xi32, #tpu.memory_space<hbm>>
      %dma_wait3A_136 = tpu.memref_slice %arg2[%mul3A_2] : memref<425984xi32, #tpu.memory_space<hbm>> -> memref<13312xi32, #tpu.memory_space<hbm>>
      tpu.wait_dma2 semaphore(%run_scoped3A : memref<!tpu.dma_semaphore, #tpu.memory_space<semaphore_mem>>) src(%dma_wait3A_136 : memref<13312xi32, #tpu.memory_space<hbm>>) dst(%arg5 : memref<13312xi32, #tpu.memory_space<vmem>>)
      tpu.yield
    }) : () -> ()
    %scan3A = arith.constant 0 : i32
    %scan3A_3 = arith.constant 832 : i32
    %scan3A_4 = arith.addi %scan3A, %scan3A_3 : i32
    %scan3A_5 = arith.constant 1 : i32
    scf.for %scan3A_133 = %scan3A to %scan3A_4 step %scan3A_5  : i32 {
      %mul3A_134 = arith.constant 16 : i32
      %mul3A_135 = arith.muli %scan3A_133, %mul3A_134 : i32
      %get3A = arith.index_cast %mul3A_135 : i32 to index
      %get3A_136 = tpu.vector_load %arg5[%get3A] {strides = array<i32>} : memref<13312xi32, #tpu.memory_space<vmem>>, vector<16xi32>,
      %shift_right_logical3A = arith.constant 2 : i32
      %shift_right_logical3A_137 = vector.broadcast %shift_right_logical3A : i32 to vector<16xi32>
      %shift_right_logical3A_138 = arith.shrui %get3A_136, %shift_right_logical3A_137 : vector<16xi32>
      %mul3A_139 = arith.constant 16 : i32
      %mul3A_140 = arith.muli %scan3A_133, %mul3A_139 : i32
      %swap3A = arith.index_cast %mul3A_140 : i32 to index
      %swap3A_141 = tpu.vector_load %arg6[%swap3A] {strides = array<i32>} : memref<13312xi32, #tpu.memory_space<vmem>>, vector<16xi32>,
      tpu.vector_store %arg6[%swap3A], %shift_right_logical3A_138 {strides = array<i32>} : memref<13312xi32, #tpu.memory_space<vmem>>, vector<16xi32>,
    }
    %scan3A_6 = arith.constant 832 : i32
    %dma_start3A = arith.constant 0 : i32
    %dma_start3A_7 = arith.constant 0 : i32
    %dma_start3A_8 = arith.constant 0 : i32
    %dma_start3A_9 = tpu.memref_slice %arg7[%dma_start3A_7, %dma_start3A_8] : memref<256x128xf32, #tpu.memory_space<vmem>> -> memref<128x128xf32, #tpu.memory_space<vmem>>
    %dma_start3A_10 = arith.constant 0 : i32
    %dma_start3A_11 = tpu.memref_slice %arg6[%dma_start3A_10] : memref<13312xi32, #tpu.memory_space<vmem>> -> memref<128xi32, #tpu.memory_space<vmem>>
    %dma_start3A_12 = arith.constant 0 : i32
    %dma_start3A_13 = arith.constant 0 : i32
    %dma_start3A_14 = tpu.memref_slice %arg3[%dma_start3A_12, %dma_start3A_13] : memref<250000x128xf32, #tpu.memory_space<hbm>> -> memref<250000x128xf32, #tpu.memory_space<hbm>>
    %dma_start3A_15 = tpu.memref_slice %arg9[%dma_start3A] : memref<2x!tpu.dma_semaphore, #tpu.memory_space<semaphore_mem>> -> memref<1x!tpu.dma_semaphore, #tpu.memory_space<semaphore_mem>>
    %dma_start3A_16 = tpu.memref_squeeze %dma_start3A_15 : memref<1x!tpu.dma_semaphore, #tpu.memory_space<semaphore_mem>> -> memref<!tpu.dma_semaphore, #tpu.memory_space<semaphore_mem>>
    tpu.enqueue_indirect_dma source(%dma_start3A_14 : memref<250000x128xf32, #tpu.memory_space<hbm>>) target(%dma_start3A_9 : memref<128x128xf32, #tpu.memory_space<vmem>>) offsets(%dma_start3A_11 : memref<128xi32, #tpu.memory_space<vmem>>) semaphore(%dma_start3A_16 : memref<!tpu.dma_semaphore, #tpu.memory_space<semaphore_mem>>)
    %scan3A_17 = arith.constant 0 : i32
    %scan3A_18 = arith.constant 104 : i32
    %scan3A_19 = arith.addi %scan3A_17, %scan3A_18 : i32
    %scan3A_20 = arith.constant 1 : i32
    scf.for %scan3A_133 = %scan3A_17 to %scan3A_19 step %scan3A_20  : i32 {
      %jit3A_134 = arith.constant 2 : i32
      %eq3A_135 = arith.constant 0 : i32
      %eq3A_136 = arith.cmpi eq, %jit3A_134, %eq3A_135 : i32
      %jit3A_137 = arith.constant 1 : i32
      %select_n3A_138 = arith.select %eq3A_136, %jit3A_137, %jit3A_134 : i32
      %rem3A_139 = arith.remsi %scan3A_133, %select_n3A_138 : i32
      %ne3A_140 = arith.constant 0 : i32
      %ne3A_141 = arith.cmpi ne, %rem3A_139, %ne3A_140 : i32
      %lt3A_142 = arith.constant 0 : i32
      %lt3A_143 = arith.cmpi slt, %rem3A_139, %lt3A_142 : i32
      %lt3A_144 = arith.constant 0 : i32
      %lt3A_145 = arith.cmpi slt, %select_n3A_138, %lt3A_144 : i32
      %ne3A_146 = arith.xori %lt3A_143, %lt3A_145 : i1
      %and3A_147 = arith.andi %ne3A_146, %ne3A_141 : i1
      %add3A_148 = arith.addi %rem3A_139, %select_n3A_138 : i32
      %select_n3A_149 = arith.select %and3A_147, %add3A_148, %rem3A_139 : i32
      %add3A_150 = arith.constant 1 : i32
      %add3A_151 = arith.addi %scan3A_133, %add3A_150 : i32
      %jit3A_152 = arith.constant 2 : i32
      %eq3A_153 = arith.constant 0 : i32
      %eq3A_154 = arith.cmpi eq, %jit3A_152, %eq3A_153 : i32
      %jit3A_155 = arith.constant 1 : i32
      %select_n3A_156 = arith.select %eq3A_154, %jit3A_155, %jit3A_152 : i32
      %rem3A_157 = arith.remsi %add3A_151, %select_n3A_156 : i32
      %ne3A_158 = arith.constant 0 : i32
      %ne3A_159 = arith.cmpi ne, %rem3A_157, %ne3A_158 : i32
      %lt3A_160 = arith.constant 0 : i32
      %lt3A_161 = arith.cmpi slt, %rem3A_157, %lt3A_160 : i32
      %lt3A_162 = arith.constant 0 : i32
      %lt3A_163 = arith.cmpi slt, %select_n3A_156, %lt3A_162 : i32
      %ne3A_164 = arith.xori %lt3A_161, %lt3A_163 : i1
      %and3A_165 = arith.andi %ne3A_164, %ne3A_159 : i1
      %add3A_166 = arith.addi %rem3A_157, %select_n3A_156 : i32
      %select_n3A_167 = arith.select %and3A_165, %add3A_166, %rem3A_157 : i32
      %add3A_168 = arith.constant 1 : i32
      %add3A_169 = arith.addi %scan3A_133, %add3A_168 : i32
      %lt3A_170 = arith.constant 104 : i32
      %lt3A_171 = arith.cmpi slt, %add3A_169, %lt3A_170 : i32
      %convert_element_type3A = arith.extui %lt3A_171 : i1 to i32
      %cond3A = arith.constant 0 : i32
      %cond3A_172 = arith.cmpi ne, %convert_element_type3A, %cond3A : i32
      scf.if %cond3A_172 {
        %add3A_250 = arith.constant 1 : i32
        %add3A_251 = arith.addi %scan3A_133, %add3A_250 : i32
        %mul3A_252 = arith.constant 128 : i32
        %mul3A_253 = arith.muli %add3A_251, %mul3A_252 : i32
        %mul3A_254 = arith.constant 128 : i32
        %mul3A_255 = arith.muli %select_n3A_167, %mul3A_254 : i32
        %dma_start3A_256 = arith.constant 0 : i32
        %dma_start3A_257 = tpu.memref_slice %arg7[%mul3A_255, %dma_start3A_256] : memref<256x128xf32, #tpu.memory_space<vmem>> -> memref<128x128xf32, #tpu.memory_space<vmem>>
        %dma_start3A_258 = tpu.memref_slice %arg6[%mul3A_253] : memref<13312xi32, #tpu.memory_space<vmem>> -> memref<128xi32, #tpu.memory_space<vmem>>
        %dma_start3A_259 = arith.constant 0 : i32
        %dma_start3A_260 = arith.constant 0 : i32
        %dma_start3A_261 = tpu.memref_slice %arg3[%dma_start3A_259, %dma_start3A_260] : memref<250000x128xf32, #tpu.memory_space<hbm>> -> memref<250000x128xf32, #tpu.memory_space<hbm>>
        %dma_start3A_262 = tpu.memref_slice %arg9[%select_n3A_167] : memref<2x!tpu.dma_semaphore, #tpu.memory_space<semaphore_mem>> -> memref<1x!tpu.dma_semaphore, #tpu.memory_space<semaphore_mem>>
        %dma_start3A_263 = tpu.memref_squeeze %dma_start3A_262 : memref<1x!tpu.dma_semaphore, #tpu.memory_space<semaphore_mem>> -> memref<!tpu.dma_semaphore, #tpu.memory_space<semaphore_mem>>
        tpu.enqueue_indirect_dma source(%dma_start3A_261 : memref<250000x128xf32, #tpu.memory_space<hbm>>) target(%dma_start3A_257 : memref<128x128xf32, #tpu.memory_space<vmem>>) offsets(%dma_start3A_258 : memref<128xi32, #tpu.memory_space<vmem>>) semaphore(%dma_start3A_263 : memref<!tpu.dma_semaphore, #tpu.memory_space<semaphore_mem>>)
      } else {
      }
      %ge3A = arith.constant 2 : i32
      %ge3A_173 = arith.cmpi sge, %scan3A_133, %ge3A : i32
      %convert_element_type3A_174 = arith.extui %ge3A_173 : i1 to i32
      %cond3A_175 = arith.constant 0 : i32
      %cond3A_176 = arith.cmpi ne, %convert_element_type3A_174, %cond3A_175 : i32
      scf.if %cond3A_176 {
        %sub3A_250 = arith.constant 2 : i32
        %sub3A_251 = arith.subi %scan3A_133, %sub3A_250 : i32
        %mul3A_252 = arith.constant 104 : i32
        %mul3A_253 = arith.muli %add3A, %mul3A_252 : i32
        %add3A_254 = arith.addi %mul3A_253, %sub3A_251 : i32
        %jit3A_255 = arith.constant 128 : i32
        %div3A_256 = arith.divsi %add3A_254, %jit3A_255 : i32
        %sign3A_257 = arith.constant 0 : i32
        %sign3A_258 = arith.cmpi sgt, %add3A_254, %sign3A_257 : i32
        %sign3A_259 = arith.extui %sign3A_258 : i1 to i32
        %sign3A_260 = arith.constant 0 : i32
        %sign3A_261 = arith.cmpi slt, %add3A_254, %sign3A_260 : i32
        %sign3A_262 = arith.extui %sign3A_261 : i1 to i32
        %sign3A_263 = arith.subi %sign3A_259, %sign3A_262 : i32
        %sign3A_264 = arith.constant 0 : i32
        %sign3A_265 = arith.cmpi sgt, %jit3A_255, %sign3A_264 : i32
        %sign3A_266 = arith.extui %sign3A_265 : i1 to i32
        %sign3A_267 = arith.constant 0 : i32
        %sign3A_268 = arith.cmpi slt, %jit3A_255, %sign3A_267 : i32
        %sign3A_269 = arith.extui %sign3A_268 : i1 to i32
        %sign3A_270 = arith.subi %sign3A_266, %sign3A_269 : i32
        %ne3A_271 = arith.cmpi ne, %sign3A_263, %sign3A_270 : i32
        %rem3A_272 = arith.remsi %add3A_254, %jit3A_255 : i32
        %ne3A_273 = arith.constant 0 : i32
        %ne3A_274 = arith.cmpi ne, %rem3A_272, %ne3A_273 : i32
        %and3A_275 = arith.andi %ne3A_271, %ne3A_274 : i1
        %sub3A_276 = arith.constant 1 : i32
        %sub3A_277 = arith.subi %div3A_256, %sub3A_276 : i32
        %select_n3A_278 = arith.select %and3A_275, %sub3A_277, %div3A_256 : i32
        %jit3A_279 = arith.constant 128 : i32
        %eq3A_280 = arith.constant 0 : i32
        %eq3A_281 = arith.cmpi eq, %jit3A_279, %eq3A_280 : i32
        %jit3A_282 = arith.constant 1 : i32
        %select_n3A_283 = arith.select %eq3A_281, %jit3A_282, %jit3A_279 : i32
        %rem3A_284 = arith.remsi %add3A_254, %select_n3A_283 : i32
        %ne3A_285 = arith.constant 0 : i32
        %ne3A_286 = arith.cmpi ne, %rem3A_284, %ne3A_285 : i32
        %lt3A_287 = arith.constant 0 : i32
        %lt3A_288 = arith.cmpi slt, %rem3A_284, %lt3A_287 : i32
        %lt3A_289 = arith.constant 0 : i32
        %lt3A_290 = arith.cmpi slt, %select_n3A_283, %lt3A_289 : i32
        %ne3A_291 = arith.xori %lt3A_288, %lt3A_290 : i1
        %and3A_292 = arith.andi %ne3A_291, %ne3A_286 : i1
        %add3A_293 = arith.addi %rem3A_284, %select_n3A_283 : i32
        %select_n3A_294 = arith.select %and3A_292, %add3A_293, %rem3A_284 : i32
        %mul3A_295 = arith.constant 32 : i32
        %mul3A_296 = arith.muli %select_n3A_149, %mul3A_295 : i32
        %mul3A_297 = arith.constant 128 : i32
        %mul3A_298 = arith.muli %select_n3A_294, %mul3A_297 : i32
        %dma_wait3A_299 = arith.constant 0 : i32
        %dma_wait3A_300 = tpu.memref_slice %arg8[%mul3A_296, %dma_wait3A_299] : memref<64x128xf32, #tpu.memory_space<vmem>> -> memref<32x128xf32, #tpu.memory_space<vmem>>
        %dma_wait3A_301 = arith.constant 0 : i32
        %dma_wait3A_302 = tpu.memref_slice %arg4[%select_n3A_278, %dma_wait3A_301, %mul3A_298] : memref<26x32x16384xf32, #tpu.memory_space<hbm>> -> memref<1x32x128xf32, #tpu.memory_space<hbm>>
        %dma_wait3A_303 = tpu.memref_squeeze %dma_wait3A_302 : memref<1x32x128xf32, #tpu.memory_space<hbm>> -> memref<32x128xf32, #tpu.memory_space<hbm>>
        %dma_wait3A_304 = tpu.memref_slice %arg10[%select_n3A_149] : memref<2x!tpu.dma_semaphore, #tpu.memory_space<semaphore_mem>> -> memref<1x!tpu.dma_semaphore, #tpu.memory_space<semaphore_mem>>
        %dma_wait3A_305 = tpu.memref_squeeze %dma_wait3A_304 : memref<1x!tpu.dma_semaphore, #tpu.memory_space<semaphore_mem>> -> memref<!tpu.dma_semaphore, #tpu.memory_space<semaphore_mem>>
        %dma_wait3A_306 = arith.constant 0 : i32
        %dma_wait3A_307 = tpu.memref_slice %arg4[%select_n3A_278, %dma_wait3A_306, %mul3A_298] : memref<26x32x16384xf32, #tpu.memory_space<hbm>> -> memref<1x32x128xf32, #tpu.memory_space<hbm>>
        %dma_wait3A_308 = tpu.memref_squeeze %dma_wait3A_307 : memref<1x32x128xf32, #tpu.memory_space<hbm>> -> memref<32x128xf32, #tpu.memory_space<hbm>>
        %dma_wait3A_309 = arith.constant 0 : i32
        %dma_wait3A_310 = tpu.memref_slice %arg8[%mul3A_296, %dma_wait3A_309] : memref<64x128xf32, #tpu.memory_space<vmem>> -> memref<32x128xf32, #tpu.memory_space<vmem>>
        tpu.wait_dma2 semaphore(%dma_wait3A_305 : memref<!tpu.dma_semaphore, #tpu.memory_space<semaphore_mem>>) src(%dma_wait3A_310 : memref<32x128xf32, #tpu.memory_space<vmem>>) dst(%dma_wait3A_308 : memref<32x128xf32, #tpu.memory_space<hbm>>)
      } else {
      }
      %mul3A_177 = arith.constant 128 : i32
      %mul3A_178 = arith.muli %scan3A_133, %mul3A_177 : i32
      %mul3A_179 = arith.constant 128 : i32
      %mul3A_180 = arith.muli %select_n3A_149, %mul3A_179 : i32
      %dma_wait3A_181 = arith.constant 0 : i32
      %dma_wait3A_182 = tpu.memref_slice %arg7[%mul3A_180, %dma_wait3A_181] : memref<256x128xf32, #tpu.memory_space<vmem>> -> memref<128x128xf32, #tpu.memory_space<vmem>>
      %dma_wait3A_183 = tpu.memref_slice %arg6[%mul3A_178] : memref<13312xi32, #tpu.memory_space<vmem>> -> memref<128xi32, #tpu.memory_space<vmem>>
      %dma_wait3A_184 = arith.constant 0 : i32
      %dma_wait3A_185 = arith.constant 0 : i32
      %dma_wait3A_186 = tpu.memref_slice %arg3[%dma_wait3A_184, %dma_wait3A_185] : memref<250000x128xf32, #tpu.memory_space<hbm>> -> memref<250000x128xf32, #tpu.memory_space<hbm>>
      %dma_wait3A_187 = tpu.memref_slice %arg9[%select_n3A_149] : memref<2x!tpu.dma_semaphore, #tpu.memory_space<semaphore_mem>> -> memref<1x!tpu.dma_semaphore, #tpu.memory_space<semaphore_mem>>
      %dma_wait3A_188 = tpu.memref_squeeze %dma_wait3A_187 : memref<1x!tpu.dma_semaphore, #tpu.memory_space<semaphore_mem>> -> memref<!tpu.dma_semaphore, #tpu.memory_space<semaphore_mem>>
      tpu.wait_indirect_dma semaphore(%dma_wait3A_188 : memref<!tpu.dma_semaphore, #tpu.memory_space<semaphore_mem>>) src(%dma_wait3A_186 : memref<250000x128xf32, #tpu.memory_space<hbm>>) dst(%dma_wait3A_182 : memref<128x128xf32, #tpu.memory_space<vmem>>)
      %parallel_loop3A = arith.constant 0 : i32
      %parallel_loop3A_189 = arith.constant 8 : i32
      %parallel_loop3A_190 = arith.constant 1 : i32
      scf.for %parallel_loop3A_250 = %parallel_loop3A to %parallel_loop3A_189 step %parallel_loop3A_190  : i32 {
        %parallel_loop3A_251 = arith.constant 16 : i32
        %parallel_loop3A_252 = arith.muli %parallel_loop3A_250, %parallel_loop3A_251 : i32
        %parallel_loop3A_253 = tpu.iota {dimensions = array<i32: 0>} : vector<16xi32>
        %parallel_loop3A_254 = vector.broadcast %parallel_loop3A_252 : i32 to vector<16xi32>
        %parallel_loop3A_255 = arith.addi %parallel_loop3A_254, %parallel_loop3A_253 : vector<16xi32>
        %parallel_loop3A_256 = arith.constant 128 : i32
        %parallel_loop3A_257 = arith.muli %select_n3A_149, %parallel_loop3A_256 : i32
        %parallel_loop3A_258 = vector.broadcast %parallel_loop3A_257 : i32 to vector<16xi32>
        %parallel_loop3A_259 = arith.addi %parallel_loop3A_255, %parallel_loop3A_258 : vector<16xi32>
        %parallel_loop3A_260 = arith.constant 128 : i32
        %parallel_loop3A_261 = arith.muli %scan3A_133, %parallel_loop3A_260 : i32
        %parallel_loop3A_262 = arith.constant 16 : i32
        %parallel_loop3A_263 = arith.muli %parallel_loop3A_250, %parallel_loop3A_262 : i32
        %parallel_loop3A_264 = arith.addi %parallel_loop3A_261, %parallel_loop3A_263 : i32
        %parallel_loop3A_265 = arith.index_cast %parallel_loop3A_264 : i32 to index
        %parallel_loop3A_266 = tpu.vector_load %arg5[%parallel_loop3A_265] {strides = array<i32>} : memref<13312xi32, #tpu.memory_space<vmem>>, vector<16xi32>,
        %parallel_loop3A_267 = arith.constant 3 : i32
        %parallel_loop3A_268 = vector.broadcast %parallel_loop3A_267 : i32 to vector<16xi32>
        %parallel_loop3A_269 = arith.andi %parallel_loop3A_266, %parallel_loop3A_268 : vector<16xi32>
        %parallel_loop3A_270 = arith.constant 32 : i32
        %parallel_loop3A_271 = vector.broadcast %parallel_loop3A_270 : i32 to vector<16xi32>
        %parallel_loop3A_272 = arith.muli %parallel_loop3A_269, %parallel_loop3A_271 : vector<16xi32>
        %parallel_loop3A_273 = arith.constant 0 : i32
        %parallel_loop3A_274 = vector.broadcast %parallel_loop3A_273 : i32 to vector<16xi32>
        %parallel_loop3A_275 = arith.addi %parallel_loop3A_272, %parallel_loop3A_274 : vector<16xi32>
        %parallel_loop3A_276 = tpu.vector_load_idx %arg7[%parallel_loop3A_259, %parallel_loop3A_275] : memref<256x128xf32, #tpu.memory_space<vmem>>[vector<16xi32>, vector<16xi32>], vector<16xf32>,
        %parallel_loop3A_277 = arith.constant 32 : i32
        %parallel_loop3A_278 = arith.muli %select_n3A_149, %parallel_loop3A_277 : i32
        %parallel_loop3A_279 = arith.constant 0 : i32
        %parallel_loop3A_280 = arith.addi %parallel_loop3A_278, %parallel_loop3A_279 : i32
        %parallel_loop3A_281 = arith.constant 16 : i32
        %parallel_loop3A_282 = arith.muli %parallel_loop3A_250, %parallel_loop3A_281 : i32
        %parallel_loop3A_283 = arith.index_cast %parallel_loop3A_280 : i32 to index
        %parallel_loop3A_284 = arith.index_cast %parallel_loop3A_282 : i32 to index
        %parallel_loop3A_285 = tpu.vector_load %arg8[%parallel_loop3A_283, %parallel_loop3A_284] {strides = array<i32>} : memref<64x128xf32, #tpu.memory_space<vmem>>, vector<16xf32>,
        tpu.vector_store %arg8[%parallel_loop3A_283, %parallel_loop3A_284], %parallel_loop3A_276 {strides = array<i32>} : memref<64x128xf32, #tpu.memory_space<vmem>>, vector<16xf32>,
        %parallel_loop3A_286 = arith.constant 1 : i32
        %parallel_loop3A_287 = vector.broadcast %parallel_loop3A_286 : i32 to vector<16xi32>
        %parallel_loop3A_288 = arith.addi %parallel_loop3A_272, %parallel_loop3A_287 : vector<16xi32>
        %parallel_loop3A_289 = tpu.vector_load_idx %arg7[%parallel_loop3A_259, %parallel_loop3A_288] : memref<256x128xf32, #tpu.memory_space<vmem>>[vector<16xi32>, vector<16xi32>], vector<16xf32>,
        %parallel_loop3A_290 = arith.constant 32 : i32
        %parallel_loop3A_291 = arith.muli %select_n3A_149, %parallel_loop3A_290 : i32
        %parallel_loop3A_292 = arith.constant 1 : i32
        %parallel_loop3A_293 = arith.addi %parallel_loop3A_291, %parallel_loop3A_292 : i32
        %parallel_loop3A_294 = arith.constant 16 : i32
        %parallel_loop3A_295 = arith.muli %parallel_loop3A_250, %parallel_loop3A_294 : i32
        %parallel_loop3A_296 = arith.index_cast %parallel_loop3A_293 : i32 to index
        %parallel_loop3A_297 = arith.index_cast %parallel_loop3A_295 : i32 to index
        %parallel_loop3A_298 = tpu.vector_load %arg8[%parallel_loop3A_296, %parallel_loop3A_297] {strides = array<i32>} : memref<64x128xf32, #tpu.memory_space<vmem>>, vector<16xf32>,
        tpu.vector_store %arg8[%parallel_loop3A_296, %parallel_loop3A_297], %parallel_loop3A_289 {strides = array<i32>} : memref<64x128xf32, #tpu.memory_space<vmem>>, vector<16xf32>,
        %parallel_loop3A_299 = arith.constant 2 : i32
        %parallel_loop3A_300 = vector.broadcast %parallel_loop3A_299 : i32 to vector<16xi32>
        %parallel_loop3A_301 = arith.addi %parallel_loop3A_272, %parallel_loop3A_300 : vector<16xi32>
        %parallel_loop3A_302 = tpu.vector_load_idx %arg7[%parallel_loop3A_259, %parallel_loop3A_301] : memref<256x128xf32, #tpu.memory_space<vmem>>[vector<16xi32>, vector<16xi32>], vector<16xf32>,
        %parallel_loop3A_303 = arith.constant 32 : i32
        %parallel_loop3A_304 = arith.muli %select_n3A_149, %parallel_loop3A_303 : i32
        %parallel_loop3A_305 = arith.constant 2 : i32
        %parallel_loop3A_306 = arith.addi %parallel_loop3A_304, %parallel_loop3A_305 : i32
        %parallel_loop3A_307 = arith.constant 16 : i32
        %parallel_loop3A_308 = arith.muli %parallel_loop3A_250, %parallel_loop3A_307 : i32
        %parallel_loop3A_309 = arith.index_cast %parallel_loop3A_306 : i32 to index
        %parallel_loop3A_310 = arith.index_cast %parallel_loop3A_308 : i32 to index
        %parallel_loop3A_311 = tpu.vector_load %arg8[%parallel_loop3A_309, %parallel_loop3A_310] {strides = array<i32>} : memref<64x128xf32, #tpu.memory_space<vmem>>, vector<16xf32>,
        tpu.vector_store %arg8[%parallel_loop3A_309, %parallel_loop3A_310], %parallel_loop3A_302 {strides = array<i32>} : memref<64x128xf32, #tpu.memory_space<vmem>>, vector<16xf32>,
        %parallel_loop3A_312 = arith.constant 3 : i32
        %parallel_loop3A_313 = vector.broadcast %parallel_loop3A_312 : i32 to vector<16xi32>
        %parallel_loop3A_314 = arith.addi %parallel_loop3A_272, %parallel_loop3A_313 : vector<16xi32>
        %parallel_loop3A_315 = tpu.vector_load_idx %arg7[%parallel_loop3A_259, %parallel_loop3A_314] : memref<256x128xf32, #tpu.memory_space<vmem>>[vector<16xi32>, vector<16xi32>], vector<16xf32>,
        %parallel_loop3A_316 = arith.constant 32 : i32
        %parallel_loop3A_317 = arith.muli %select_n3A_149, %parallel_loop3A_316 : i32
        %parallel_loop3A_318 = arith.constant 3 : i32
        %parallel_loop3A_319 = arith.addi %parallel_loop3A_317, %parallel_loop3A_318 : i32
        %parallel_loop3A_320 = arith.constant 16 : i32
        %parallel_loop3A_321 = arith.muli %parallel_loop3A_250, %parallel_loop3A_320 : i32
        %parallel_loop3A_322 = arith.index_cast %parallel_loop3A_319 : i32 to index
        %parallel_loop3A_323 = arith.index_cast %parallel_loop3A_321 : i32 to index
        %parallel_loop3A_324 = tpu.vector_load %arg8[%parallel_loop3A_322, %parallel_loop3A_323] {strides = array<i32>} : memref<64x128xf32, #tpu.memory_space<vmem>>, vector<16xf32>,
        tpu.vector_store %arg8[%parallel_loop3A_322, %parallel_loop3A_323], %parallel_loop3A_315 {strides = array<i32>} : memref<64x128xf32, #tpu.memory_space<vmem>>, vector<16xf32>,
        %parallel_loop3A_325 = arith.constant 4 : i32
        %parallel_loop3A_326 = vector.broadcast %parallel_loop3A_325 : i32 to vector<16xi32>
        %parallel_loop3A_327 = arith.addi %parallel_loop3A_272, %parallel_loop3A_326 : vector<16xi32>
        %parallel_loop3A_328 = tpu.vector_load_idx %arg7[%parallel_loop3A_259, %parallel_loop3A_327] : memref<256x128xf32, #tpu.memory_space<vmem>>[vector<16xi32>, vector<16xi32>], vector<16xf32>,
        %parallel_loop3A_329 = arith.constant 32 : i32
        %parallel_loop3A_330 = arith.muli %select_n3A_149, %parallel_loop3A_329 : i32
        %parallel_loop3A_331 = arith.constant 4 : i32
        %parallel_loop3A_332 = arith.addi %parallel_loop3A_330, %parallel_loop3A_331 : i32
        %parallel_loop3A_333 = arith.constant 16 : i32
        %parallel_loop3A_334 = arith.muli %parallel_loop3A_250, %parallel_loop3A_333 : i32
        %parallel_loop3A_335 = arith.index_cast %parallel_loop3A_332 : i32 to index
        %parallel_loop3A_336 = arith.index_cast %parallel_loop3A_334 : i32 to index
        %parallel_loop3A_337 = tpu.vector_load %arg8[%parallel_loop3A_335, %parallel_loop3A_336] {strides = array<i32>} : memref<64x128xf32, #tpu.memory_space<vmem>>, vector<16xf32>,
        tpu.vector_store %arg8[%parallel_loop3A_335, %parallel_loop3A_336], %parallel_loop3A_328 {strides = array<i32>} : memref<64x128xf32, #tpu.memory_space<vmem>>, vector<16xf32>,
        %parallel_loop3A_338 = arith.constant 5 : i32
        %parallel_loop3A_339 = vector.broadcast %parallel_loop3A_338 : i32 to vector<16xi32>
        %parallel_loop3A_340 = arith.addi %parallel_loop3A_272, %parallel_loop3A_339 : vector<16xi32>
        %parallel_loop3A_341 = tpu.vector_load_idx %arg7[%parallel_loop3A_259, %parallel_loop3A_340] : memref<256x128xf32, #tpu.memory_space<vmem>>[vector<16xi32>, vector<16xi32>], vector<16xf32>,
        %parallel_loop3A_342 = arith.constant 32 : i32
        %parallel_loop3A_343 = arith.muli %select_n3A_149, %parallel_loop3A_342 : i32
        %parallel_loop3A_344 = arith.constant 5 : i32
        %parallel_loop3A_345 = arith.addi %parallel_loop3A_343, %parallel_loop3A_344 : i32
        %parallel_loop3A_346 = arith.constant 16 : i32
        %parallel_loop3A_347 = arith.muli %parallel_loop3A_250, %parallel_loop3A_346 : i32
        %parallel_loop3A_348 = arith.index_cast %parallel_loop3A_345 : i32 to index
        %parallel_loop3A_349 = arith.index_cast %parallel_loop3A_347 : i32 to index
        %parallel_loop3A_350 = tpu.vector_load %arg8[%parallel_loop3A_348, %parallel_loop3A_349] {strides = array<i32>} : memref<64x128xf32, #tpu.memory_space<vmem>>, vector<16xf32>,
        tpu.vector_store %arg8[%parallel_loop3A_348, %parallel_loop3A_349], %parallel_loop3A_341 {strides = array<i32>} : memref<64x128xf32, #tpu.memory_space<vmem>>, vector<16xf32>,
        %parallel_loop3A_351 = arith.constant 6 : i32
        %parallel_loop3A_352 = vector.broadcast %parallel_loop3A_351 : i32 to vector<16xi32>
        %parallel_loop3A_353 = arith.addi %parallel_loop3A_272, %parallel_loop3A_352 : vector<16xi32>
        %parallel_loop3A_354 = tpu.vector_load_idx %arg7[%parallel_loop3A_259, %parallel_loop3A_353] : memref<256x128xf32, #tpu.memory_space<vmem>>[vector<16xi32>, vector<16xi32>], vector<16xf32>,
        %parallel_loop3A_355 = arith.constant 32 : i32
        %parallel_loop3A_356 = arith.muli %select_n3A_149, %parallel_loop3A_355 : i32
        %parallel_loop3A_357 = arith.constant 6 : i32
        %parallel_loop3A_358 = arith.addi %parallel_loop3A_356, %parallel_loop3A_357 : i32
        %parallel_loop3A_359 = arith.constant 16 : i32
        %parallel_loop3A_360 = arith.muli %parallel_loop3A_250, %parallel_loop3A_359 : i32
        %parallel_loop3A_361 = arith.index_cast %parallel_loop3A_358 : i32 to index
        %parallel_loop3A_362 = arith.index_cast %parallel_loop3A_360 : i32 to index
        %parallel_loop3A_363 = tpu.vector_load %arg8[%parallel_loop3A_361, %parallel_loop3A_362] {strides = array<i32>} : memref<64x128xf32, #tpu.memory_space<vmem>>, vector<16xf32>,
        tpu.vector_store %arg8[%parallel_loop3A_361, %parallel_loop3A_362], %parallel_loop3A_354 {strides = array<i32>} : memref<64x128xf32, #tpu.memory_space<vmem>>, vector<16xf32>,
        %parallel_loop3A_364 = arith.constant 7 : i32
        %parallel_loop3A_365 = vector.broadcast %parallel_loop3A_364 : i32 to vector<16xi32>
        %parallel_loop3A_366 = arith.addi %parallel_loop3A_272, %parallel_loop3A_365 : vector<16xi32>
        %parallel_loop3A_367 = tpu.vector_load_idx %arg7[%parallel_loop3A_259, %parallel_loop3A_366] : memref<256x128xf32, #tpu.memory_space<vmem>>[vector<16xi32>, vector<16xi32>], vector<16xf32>,
        %parallel_loop3A_368 = arith.constant 32 : i32
        %parallel_loop3A_369 = arith.muli %select_n3A_149, %parallel_loop3A_368 : i32
        %parallel_loop3A_370 = arith.constant 7 : i32
        %parallel_loop3A_371 = arith.addi %parallel_loop3A_369, %parallel_loop3A_370 : i32
        %parallel_loop3A_372 = arith.constant 16 : i32
        %parallel_loop3A_373 = arith.muli %parallel_loop3A_250, %parallel_loop3A_372 : i32
        %parallel_loop3A_374 = arith.index_cast %parallel_loop3A_371 : i32 to index
        %parallel_loop3A_375 = arith.index_cast %parallel_loop3A_373 : i32 to index
        %parallel_loop3A_376 = tpu.vector_load %arg8[%parallel_loop3A_374, %parallel_loop3A_375] {strides = array<i32>} : memref<64x128xf32, #tpu.memory_space<vmem>>, vector<16xf32>,
        tpu.vector_store %arg8[%parallel_loop3A_374, %parallel_loop3A_375], %parallel_loop3A_367 {strides = array<i32>} : memref<64x128xf32, #tpu.memory_space<vmem>>, vector<16xf32>,
        %parallel_loop3A_377 = arith.constant 8 : i32
        %parallel_loop3A_378 = vector.broadcast %parallel_loop3A_377 : i32 to vector<16xi32>
        %parallel_loop3A_379 = arith.addi %parallel_loop3A_272, %parallel_loop3A_378 : vector<16xi32>
        %parallel_loop3A_380 = tpu.vector_load_idx %arg7[%parallel_loop3A_259, %parallel_loop3A_379] : memref<256x128xf32, #tpu.memory_space<vmem>>[vector<16xi32>, vector<16xi32>], vector<16xf32>,
        %parallel_loop3A_381 = arith.constant 32 : i32
        %parallel_loop3A_382 = arith.muli %select_n3A_149, %parallel_loop3A_381 : i32
        %parallel_loop3A_383 = arith.constant 8 : i32
        %parallel_loop3A_384 = arith.addi %parallel_loop3A_382, %parallel_loop3A_383 : i32
        %parallel_loop3A_385 = arith.constant 16 : i32
        %parallel_loop3A_386 = arith.muli %parallel_loop3A_250, %parallel_loop3A_385 : i32
        %parallel_loop3A_387 = arith.index_cast %parallel_loop3A_384 : i32 to index
        %parallel_loop3A_388 = arith.index_cast %parallel_loop3A_386 : i32 to index
        %parallel_loop3A_389 = tpu.vector_load %arg8[%parallel_loop3A_387, %parallel_loop3A_388] {strides = array<i32>} : memref<64x128xf32, #tpu.memory_space<vmem>>, vector<16xf32>,
        tpu.vector_store %arg8[%parallel_loop3A_387, %parallel_loop3A_388], %parallel_loop3A_380 {strides = array<i32>} : memref<64x128xf32, #tpu.memory_space<vmem>>, vector<16xf32>,
        %parallel_loop3A_390 = arith.constant 9 : i32
        %parallel_loop3A_391 = vector.broadcast %parallel_loop3A_390 : i32 to vector<16xi32>
        %parallel_loop3A_392 = arith.addi %parallel_loop3A_272, %parallel_loop3A_391 : vector<16xi32>
        %parallel_loop3A_393 = tpu.vector_load_idx %arg7[%parallel_loop3A_259, %parallel_loop3A_392] : memref<256x128xf32, #tpu.memory_space<vmem>>[vector<16xi32>, vector<16xi32>], vector<16xf32>,
        %parallel_loop3A_394 = arith.constant 32 : i32
        %parallel_loop3A_395 = arith.muli %select_n3A_149, %parallel_loop3A_394 : i32
        %parallel_loop3A_396 = arith.constant 9 : i32
        %parallel_loop3A_397 = arith.addi %parallel_loop3A_395, %parallel_loop3A_396 : i32
        %parallel_loop3A_398 = arith.constant 16 : i32
        %parallel_loop3A_399 = arith.muli %parallel_loop3A_250, %parallel_loop3A_398 : i32
        %parallel_loop3A_400 = arith.index_cast %parallel_loop3A_397 : i32 to index
        %parallel_loop3A_401 = arith.index_cast %parallel_loop3A_399 : i32 to index
        %parallel_loop3A_402 = tpu.vector_load %arg8[%parallel_loop3A_400, %parallel_loop3A_401] {strides = array<i32>} : memref<64x128xf32, #tpu.memory_space<vmem>>, vector<16xf32>,
        tpu.vector_store %arg8[%parallel_loop3A_400, %parallel_loop3A_401], %parallel_loop3A_393 {strides = array<i32>} : memref<64x128xf32, #tpu.memory_space<vmem>>, vector<16xf32>,
        %parallel_loop3A_403 = arith.constant 10 : i32
        %parallel_loop3A_404 = vector.broadcast %parallel_loop3A_403 : i32 to vector<16xi32>
        %parallel_loop3A_405 = arith.addi %parallel_loop3A_272, %parallel_loop3A_404 : vector<16xi32>
        %parallel_loop3A_406 = tpu.vector_load_idx %arg7[%parallel_loop3A_259, %parallel_loop3A_405] : memref<256x128xf32, #tpu.memory_space<vmem>>[vector<16xi32>, vector<16xi32>], vector<16xf32>,
        %parallel_loop3A_407 = arith.constant 32 : i32
        %parallel_loop3A_408 = arith.muli %select_n3A_149, %parallel_loop3A_407 : i32
        %parallel_loop3A_409 = arith.constant 10 : i32
        %parallel_loop3A_410 = arith.addi %parallel_loop3A_408, %parallel_loop3A_409 : i32
        %parallel_loop3A_411 = arith.constant 16 : i32
        %parallel_loop3A_412 = arith.muli %parallel_loop3A_250, %parallel_loop3A_411 : i32
        %parallel_loop3A_413 = arith.index_cast %parallel_loop3A_410 : i32 to index
        %parallel_loop3A_414 = arith.index_cast %parallel_loop3A_412 : i32 to index
        %parallel_loop3A_415 = tpu.vector_load %arg8[%parallel_loop3A_413, %parallel_loop3A_414] {strides = array<i32>} : memref<64x128xf32, #tpu.memory_space<vmem>>, vector<16xf32>,
        tpu.vector_store %arg8[%parallel_loop3A_413, %parallel_loop3A_414], %parallel_loop3A_406 {strides = array<i32>} : memref<64x128xf32, #tpu.memory_space<vmem>>, vector<16xf32>,
        %parallel_loop3A_416 = arith.constant 11 : i32
        %parallel_loop3A_417 = vector.broadcast %parallel_loop3A_416 : i32 to vector<16xi32>
        %parallel_loop3A_418 = arith.addi %parallel_loop3A_272, %parallel_loop3A_417 : vector<16xi32>
        %parallel_loop3A_419 = tpu.vector_load_idx %arg7[%parallel_loop3A_259, %parallel_loop3A_418] : memref<256x128xf32, #tpu.memory_space<vmem>>[vector<16xi32>, vector<16xi32>], vector<16xf32>,
        %parallel_loop3A_420 = arith.constant 32 : i32
        %parallel_loop3A_421 = arith.muli %select_n3A_149, %parallel_loop3A_420 : i32
        %parallel_loop3A_422 = arith.constant 11 : i32
        %parallel_loop3A_423 = arith.addi %parallel_loop3A_421, %parallel_loop3A_422 : i32
        %parallel_loop3A_424 = arith.constant 16 : i32
        %parallel_loop3A_425 = arith.muli %parallel_loop3A_250, %parallel_loop3A_424 : i32
        %parallel_loop3A_426 = arith.index_cast %parallel_loop3A_423 : i32 to index
        %parallel_loop3A_427 = arith.index_cast %parallel_loop3A_425 : i32 to index
        %parallel_loop3A_428 = tpu.vector_load %arg8[%parallel_loop3A_426, %parallel_loop3A_427] {strides = array<i32>} : memref<64x128xf32, #tpu.memory_space<vmem>>, vector<16xf32>,
        tpu.vector_store %arg8[%parallel_loop3A_426, %parallel_loop3A_427], %parallel_loop3A_419 {strides = array<i32>} : memref<64x128xf32, #tpu.memory_space<vmem>>, vector<16xf32>,
        %parallel_loop3A_429 = arith.constant 12 : i32
        %parallel_loop3A_430 = vector.broadcast %parallel_loop3A_429 : i32 to vector<16xi32>
        %parallel_loop3A_431 = arith.addi %parallel_loop3A_272, %parallel_loop3A_430 : vector<16xi32>
        %parallel_loop3A_432 = tpu.vector_load_idx %arg7[%parallel_loop3A_259, %parallel_loop3A_431] : memref<256x128xf32, #tpu.memory_space<vmem>>[vector<16xi32>, vector<16xi32>], vector<16xf32>,
        %parallel_loop3A_433 = arith.constant 32 : i32
        %parallel_loop3A_434 = arith.muli %select_n3A_149, %parallel_loop3A_433 : i32
        %parallel_loop3A_435 = arith.constant 12 : i32
        %parallel_loop3A_436 = arith.addi %parallel_loop3A_434, %parallel_loop3A_435 : i32
        %parallel_loop3A_437 = arith.constant 16 : i32
        %parallel_loop3A_438 = arith.muli %parallel_loop3A_250, %parallel_loop3A_437 : i32
        %parallel_loop3A_439 = arith.index_cast %parallel_loop3A_436 : i32 to index
        %parallel_loop3A_440 = arith.index_cast %parallel_loop3A_438 : i32 to index
        %parallel_loop3A_441 = tpu.vector_load %arg8[%parallel_loop3A_439, %parallel_loop3A_440] {strides = array<i32>} : memref<64x128xf32, #tpu.memory_space<vmem>>, vector<16xf32>,
        tpu.vector_store %arg8[%parallel_loop3A_439, %parallel_loop3A_440], %parallel_loop3A_432 {strides = array<i32>} : memref<64x128xf32, #tpu.memory_space<vmem>>, vector<16xf32>,
        %parallel_loop3A_442 = arith.constant 13 : i32
        %parallel_loop3A_443 = vector.broadcast %parallel_loop3A_442 : i32 to vector<16xi32>
        %parallel_loop3A_444 = arith.addi %parallel_loop3A_272, %parallel_loop3A_443 : vector<16xi32>
        %parallel_loop3A_445 = tpu.vector_load_idx %arg7[%parallel_loop3A_259, %parallel_loop3A_444] : memref<256x128xf32, #tpu.memory_space<vmem>>[vector<16xi32>, vector<16xi32>], vector<16xf32>,
        %parallel_loop3A_446 = arith.constant 32 : i32
        %parallel_loop3A_447 = arith.muli %select_n3A_149, %parallel_loop3A_446 : i32
        %parallel_loop3A_448 = arith.constant 13 : i32
        %parallel_loop3A_449 = arith.addi %parallel_loop3A_447, %parallel_loop3A_448 : i32
        %parallel_loop3A_450 = arith.constant 16 : i32
        %parallel_loop3A_451 = arith.muli %parallel_loop3A_250, %parallel_loop3A_450 : i32
        %parallel_loop3A_452 = arith.index_cast %parallel_loop3A_449 : i32 to index
        %parallel_loop3A_453 = arith.index_cast %parallel_loop3A_451 : i32 to index
        %parallel_loop3A_454 = tpu.vector_load %arg8[%parallel_loop3A_452, %parallel_loop3A_453] {strides = array<i32>} : memref<64x128xf32, #tpu.memory_space<vmem>>, vector<16xf32>,
        tpu.vector_store %arg8[%parallel_loop3A_452, %parallel_loop3A_453], %parallel_loop3A_445 {strides = array<i32>} : memref<64x128xf32, #tpu.memory_space<vmem>>, vector<16xf32>,
        %parallel_loop3A_455 = arith.constant 14 : i32
        %parallel_loop3A_456 = vector.broadcast %parallel_loop3A_455 : i32 to vector<16xi32>
        %parallel_loop3A_457 = arith.addi %parallel_loop3A_272, %parallel_loop3A_456 : vector<16xi32>
        %parallel_loop3A_458 = tpu.vector_load_idx %arg7[%parallel_loop3A_259, %parallel_loop3A_457] : memref<256x128xf32, #tpu.memory_space<vmem>>[vector<16xi32>, vector<16xi32>], vector<16xf32>,
        %parallel_loop3A_459 = arith.constant 32 : i32
        %parallel_loop3A_460 = arith.muli %select_n3A_149, %parallel_loop3A_459 : i32
        %parallel_loop3A_461 = arith.constant 14 : i32
        %parallel_loop3A_462 = arith.addi %parallel_loop3A_460, %parallel_loop3A_461 : i32
        %parallel_loop3A_463 = arith.constant 16 : i32
        %parallel_loop3A_464 = arith.muli %parallel_loop3A_250, %parallel_loop3A_463 : i32
        %parallel_loop3A_465 = arith.index_cast %parallel_loop3A_462 : i32 to index
        %parallel_loop3A_466 = arith.index_cast %parallel_loop3A_464 : i32 to index
        %parallel_loop3A_467 = tpu.vector_load %arg8[%parallel_loop3A_465, %parallel_loop3A_466] {strides = array<i32>} : memref<64x128xf32, #tpu.memory_space<vmem>>, vector<16xf32>,
        tpu.vector_store %arg8[%parallel_loop3A_465, %parallel_loop3A_466], %parallel_loop3A_458 {strides = array<i32>} : memref<64x128xf32, #tpu.memory_space<vmem>>, vector<16xf32>,
        %parallel_loop3A_468 = arith.constant 15 : i32
        %parallel_loop3A_469 = vector.broadcast %parallel_loop3A_468 : i32 to vector<16xi32>
        %parallel_loop3A_470 = arith.addi %parallel_loop3A_272, %parallel_loop3A_469 : vector<16xi32>
        %parallel_loop3A_471 = tpu.vector_load_idx %arg7[%parallel_loop3A_259, %parallel_loop3A_470] : memref<256x128xf32, #tpu.memory_space<vmem>>[vector<16xi32>, vector<16xi32>], vector<16xf32>,
        %parallel_loop3A_472 = arith.constant 32 : i32
        %parallel_loop3A_473 = arith.muli %select_n3A_149, %parallel_loop3A_472 : i32
        %parallel_loop3A_474 = arith.constant 15 : i32
        %parallel_loop3A_475 = arith.addi %parallel_loop3A_473, %parallel_loop3A_474 : i32
        %parallel_loop3A_476 = arith.constant 16 : i32
        %parallel_loop3A_477 = arith.muli %parallel_loop3A_250, %parallel_loop3A_476 : i32
        %parallel_loop3A_478 = arith.index_cast %parallel_loop3A_475 : i32 to index
        %parallel_loop3A_479 = arith.index_cast %parallel_loop3A_477 : i32 to index
        %parallel_loop3A_480 = tpu.vector_load %arg8[%parallel_loop3A_478, %parallel_loop3A_479] {strides = array<i32>} : memref<64x128xf32, #tpu.memory_space<vmem>>, vector<16xf32>,
        tpu.vector_store %arg8[%parallel_loop3A_478, %parallel_loop3A_479], %parallel_loop3A_471 {strides = array<i32>} : memref<64x128xf32, #tpu.memory_space<vmem>>, vector<16xf32>,
        %parallel_loop3A_481 = arith.constant 16 : i32
        %parallel_loop3A_482 = vector.broadcast %parallel_loop3A_481 : i32 to vector<16xi32>
        %parallel_loop3A_483 = arith.addi %parallel_loop3A_272, %parallel_loop3A_482 : vector<16xi32>
        %parallel_loop3A_484 = tpu.vector_load_idx %arg7[%parallel_loop3A_259, %parallel_loop3A_483] : memref<256x128xf32, #tpu.memory_space<vmem>>[vector<16xi32>, vector<16xi32>], vector<16xf32>,
        %parallel_loop3A_485 = arith.constant 32 : i32
        %parallel_loop3A_486 = arith.muli %select_n3A_149, %parallel_loop3A_485 : i32
        %parallel_loop3A_487 = arith.constant 16 : i32
        %parallel_loop3A_488 = arith.addi %parallel_loop3A_486, %parallel_loop3A_487 : i32
        %parallel_loop3A_489 = arith.constant 16 : i32
        %parallel_loop3A_490 = arith.muli %parallel_loop3A_250, %parallel_loop3A_489 : i32
        %parallel_loop3A_491 = arith.index_cast %parallel_loop3A_488 : i32 to index
        %parallel_loop3A_492 = arith.index_cast %parallel_loop3A_490 : i32 to index
        %parallel_loop3A_493 = tpu.vector_load %arg8[%parallel_loop3A_491, %parallel_loop3A_492] {strides = array<i32>} : memref<64x128xf32, #tpu.memory_space<vmem>>, vector<16xf32>,
        tpu.vector_store %arg8[%parallel_loop3A_491, %parallel_loop3A_492], %parallel_loop3A_484 {strides = array<i32>} : memref<64x128xf32, #tpu.memory_space<vmem>>, vector<16xf32>,
        %parallel_loop3A_494 = arith.constant 17 : i32
        %parallel_loop3A_495 = vector.broadcast %parallel_loop3A_494 : i32 to vector<16xi32>
        %parallel_loop3A_496 = arith.addi %parallel_loop3A_272, %parallel_loop3A_495 : vector<16xi32>
        %parallel_loop3A_497 = tpu.vector_load_idx %arg7[%parallel_loop3A_259, %parallel_loop3A_496] : memref<256x128xf32, #tpu.memory_space<vmem>>[vector<16xi32>, vector<16xi32>], vector<16xf32>,
        %parallel_loop3A_498 = arith.constant 32 : i32
        %parallel_loop3A_499 = arith.muli %select_n3A_149, %parallel_loop3A_498 : i32
        %parallel_loop3A_500 = arith.constant 17 : i32
        %parallel_loop3A_501 = arith.addi %parallel_loop3A_499, %parallel_loop3A_500 : i32
        %parallel_loop3A_502 = arith.constant 16 : i32
        %parallel_loop3A_503 = arith.muli %parallel_loop3A_250, %parallel_loop3A_502 : i32
        %parallel_loop3A_504 = arith.index_cast %parallel_loop3A_501 : i32 to index
        %parallel_loop3A_505 = arith.index_cast %parallel_loop3A_503 : i32 to index
        %parallel_loop3A_506 = tpu.vector_load %arg8[%parallel_loop3A_504, %parallel_loop3A_505] {strides = array<i32>} : memref<64x128xf32, #tpu.memory_space<vmem>>, vector<16xf32>,
        tpu.vector_store %arg8[%parallel_loop3A_504, %parallel_loop3A_505], %parallel_loop3A_497 {strides = array<i32>} : memref<64x128xf32, #tpu.memory_space<vmem>>, vector<16xf32>,
        %parallel_loop3A_507 = arith.constant 18 : i32
        %parallel_loop3A_508 = vector.broadcast %parallel_loop3A_507 : i32 to vector<16xi32>
        %parallel_loop3A_509 = arith.addi %parallel_loop3A_272, %parallel_loop3A_508 : vector<16xi32>
        %parallel_loop3A_510 = tpu.vector_load_idx %arg7[%parallel_loop3A_259, %parallel_loop3A_509] : memref<256x128xf32, #tpu.memory_space<vmem>>[vector<16xi32>, vector<16xi32>], vector<16xf32>,
        %parallel_loop3A_511 = arith.constant 32 : i32
        %parallel_loop3A_512 = arith.muli %select_n3A_149, %parallel_loop3A_511 : i32
        %parallel_loop3A_513 = arith.constant 18 : i32
        %parallel_loop3A_514 = arith.addi %parallel_loop3A_512, %parallel_loop3A_513 : i32
        %parallel_loop3A_515 = arith.constant 16 : i32
        %parallel_loop3A_516 = arith.muli %parallel_loop3A_250, %parallel_loop3A_515 : i32
        %parallel_loop3A_517 = arith.index_cast %parallel_loop3A_514 : i32 to index
        %parallel_loop3A_518 = arith.index_cast %parallel_loop3A_516 : i32 to index
        %parallel_loop3A_519 = tpu.vector_load %arg8[%parallel_loop3A_517, %parallel_loop3A_518] {strides = array<i32>} : memref<64x128xf32, #tpu.memory_space<vmem>>, vector<16xf32>,
        tpu.vector_store %arg8[%parallel_loop3A_517, %parallel_loop3A_518], %parallel_loop3A_510 {strides = array<i32>} : memref<64x128xf32, #tpu.memory_space<vmem>>, vector<16xf32>,
        %parallel_loop3A_520 = arith.constant 19 : i32
        %parallel_loop3A_521 = vector.broadcast %parallel_loop3A_520 : i32 to vector<16xi32>
        %parallel_loop3A_522 = arith.addi %parallel_loop3A_272, %parallel_loop3A_521 : vector<16xi32>
        %parallel_loop3A_523 = tpu.vector_load_idx %arg7[%parallel_loop3A_259, %parallel_loop3A_522] : memref<256x128xf32, #tpu.memory_space<vmem>>[vector<16xi32>, vector<16xi32>], vector<16xf32>,
        %parallel_loop3A_524 = arith.constant 32 : i32
        %parallel_loop3A_525 = arith.muli %select_n3A_149, %parallel_loop3A_524 : i32
        %parallel_loop3A_526 = arith.constant 19 : i32
        %parallel_loop3A_527 = arith.addi %parallel_loop3A_525, %parallel_loop3A_526 : i32
        %parallel_loop3A_528 = arith.constant 16 : i32
        %parallel_loop3A_529 = arith.muli %parallel_loop3A_250, %parallel_loop3A_528 : i32
        %parallel_loop3A_530 = arith.index_cast %parallel_loop3A_527 : i32 to index
        %parallel_loop3A_531 = arith.index_cast %parallel_loop3A_529 : i32 to index
        %parallel_loop3A_532 = tpu.vector_load %arg8[%parallel_loop3A_530, %parallel_loop3A_531] {strides = array<i32>} : memref<64x128xf32, #tpu.memory_space<vmem>>, vector<16xf32>,
        tpu.vector_store %arg8[%parallel_loop3A_530, %parallel_loop3A_531], %parallel_loop3A_523 {strides = array<i32>} : memref<64x128xf32, #tpu.memory_space<vmem>>, vector<16xf32>,
        %parallel_loop3A_533 = arith.constant 20 : i32
        %parallel_loop3A_534 = vector.broadcast %parallel_loop3A_533 : i32 to vector<16xi32>
        %parallel_loop3A_535 = arith.addi %parallel_loop3A_272, %parallel_loop3A_534 : vector<16xi32>
        %parallel_loop3A_536 = tpu.vector_load_idx %arg7[%parallel_loop3A_259, %parallel_loop3A_535] : memref<256x128xf32, #tpu.memory_space<vmem>>[vector<16xi32>, vector<16xi32>], vector<16xf32>,
        %parallel_loop3A_537 = arith.constant 32 : i32
        %parallel_loop3A_538 = arith.muli %select_n3A_149, %parallel_loop3A_537 : i32
        %parallel_loop3A_539 = arith.constant 20 : i32
        %parallel_loop3A_540 = arith.addi %parallel_loop3A_538, %parallel_loop3A_539 : i32
        %parallel_loop3A_541 = arith.constant 16 : i32
        %parallel_loop3A_542 = arith.muli %parallel_loop3A_250, %parallel_loop3A_541 : i32
        %parallel_loop3A_543 = arith.index_cast %parallel_loop3A_540 : i32 to index
        %parallel_loop3A_544 = arith.index_cast %parallel_loop3A_542 : i32 to index
        %parallel_loop3A_545 = tpu.vector_load %arg8[%parallel_loop3A_543, %parallel_loop3A_544] {strides = array<i32>} : memref<64x128xf32, #tpu.memory_space<vmem>>, vector<16xf32>,
        tpu.vector_store %arg8[%parallel_loop3A_543, %parallel_loop3A_544], %parallel_loop3A_536 {strides = array<i32>} : memref<64x128xf32, #tpu.memory_space<vmem>>, vector<16xf32>,
        %parallel_loop3A_546 = arith.constant 21 : i32
        %parallel_loop3A_547 = vector.broadcast %parallel_loop3A_546 : i32 to vector<16xi32>
        %parallel_loop3A_548 = arith.addi %parallel_loop3A_272, %parallel_loop3A_547 : vector<16xi32>
        %parallel_loop3A_549 = tpu.vector_load_idx %arg7[%parallel_loop3A_259, %parallel_loop3A_548] : memref<256x128xf32, #tpu.memory_space<vmem>>[vector<16xi32>, vector<16xi32>], vector<16xf32>,
        %parallel_loop3A_550 = arith.constant 32 : i32
        %parallel_loop3A_551 = arith.muli %select_n3A_149, %parallel_loop3A_550 : i32
        %parallel_loop3A_552 = arith.constant 21 : i32
        %parallel_loop3A_553 = arith.addi %parallel_loop3A_551, %parallel_loop3A_552 : i32
        %parallel_loop3A_554 = arith.constant 16 : i32
        %parallel_loop3A_555 = arith.muli %parallel_loop3A_250, %parallel_loop3A_554 : i32
        %parallel_loop3A_556 = arith.index_cast %parallel_loop3A_553 : i32 to index
        %parallel_loop3A_557 = arith.index_cast %parallel_loop3A_555 : i32 to index
        %parallel_loop3A_558 = tpu.vector_load %arg8[%parallel_loop3A_556, %parallel_loop3A_557] {strides = array<i32>} : memref<64x128xf32, #tpu.memory_space<vmem>>, vector<16xf32>,
        tpu.vector_store %arg8[%parallel_loop3A_556, %parallel_loop3A_557], %parallel_loop3A_549 {strides = array<i32>} : memref<64x128xf32, #tpu.memory_space<vmem>>, vector<16xf32>,
        %parallel_loop3A_559 = arith.constant 22 : i32
        %parallel_loop3A_560 = vector.broadcast %parallel_loop3A_559 : i32 to vector<16xi32>
        %parallel_loop3A_561 = arith.addi %parallel_loop3A_272, %parallel_loop3A_560 : vector<16xi32>
        %parallel_loop3A_562 = tpu.vector_load_idx %arg7[%parallel_loop3A_259, %parallel_loop3A_561] : memref<256x128xf32, #tpu.memory_space<vmem>>[vector<16xi32>, vector<16xi32>], vector<16xf32>,
        %parallel_loop3A_563 = arith.constant 32 : i32
        %parallel_loop3A_564 = arith.muli %select_n3A_149, %parallel_loop3A_563 : i32
        %parallel_loop3A_565 = arith.constant 22 : i32
        %parallel_loop3A_566 = arith.addi %parallel_loop3A_564, %parallel_loop3A_565 : i32
        %parallel_loop3A_567 = arith.constant 16 : i32
        %parallel_loop3A_568 = arith.muli %parallel_loop3A_250, %parallel_loop3A_567 : i32
        %parallel_loop3A_569 = arith.index_cast %parallel_loop3A_566 : i32 to index
        %parallel_loop3A_570 = arith.index_cast %parallel_loop3A_568 : i32 to index
        %parallel_loop3A_571 = tpu.vector_load %arg8[%parallel_loop3A_569, %parallel_loop3A_570] {strides = array<i32>} : memref<64x128xf32, #tpu.memory_space<vmem>>, vector<16xf32>,
        tpu.vector_store %arg8[%parallel_loop3A_569, %parallel_loop3A_570], %parallel_loop3A_562 {strides = array<i32>} : memref<64x128xf32, #tpu.memory_space<vmem>>, vector<16xf32>,
        %parallel_loop3A_572 = arith.constant 23 : i32
        %parallel_loop3A_573 = vector.broadcast %parallel_loop3A_572 : i32 to vector<16xi32>
        %parallel_loop3A_574 = arith.addi %parallel_loop3A_272, %parallel_loop3A_573 : vector<16xi32>
        %parallel_loop3A_575 = tpu.vector_load_idx %arg7[%parallel_loop3A_259, %parallel_loop3A_574] : memref<256x128xf32, #tpu.memory_space<vmem>>[vector<16xi32>, vector<16xi32>], vector<16xf32>,
        %parallel_loop3A_576 = arith.constant 32 : i32
        %parallel_loop3A_577 = arith.muli %select_n3A_149, %parallel_loop3A_576 : i32
        %parallel_loop3A_578 = arith.constant 23 : i32
        %parallel_loop3A_579 = arith.addi %parallel_loop3A_577, %parallel_loop3A_578 : i32
        %parallel_loop3A_580 = arith.constant 16 : i32
        %parallel_loop3A_581 = arith.muli %parallel_loop3A_250, %parallel_loop3A_580 : i32
        %parallel_loop3A_582 = arith.index_cast %parallel_loop3A_579 : i32 to index
        %parallel_loop3A_583 = arith.index_cast %parallel_loop3A_581 : i32 to index
        %parallel_loop3A_584 = tpu.vector_load %arg8[%parallel_loop3A_582, %parallel_loop3A_583] {strides = array<i32>} : memref<64x128xf32, #tpu.memory_space<vmem>>, vector<16xf32>,
        tpu.vector_store %arg8[%parallel_loop3A_582, %parallel_loop3A_583], %parallel_loop3A_575 {strides = array<i32>} : memref<64x128xf32, #tpu.memory_space<vmem>>, vector<16xf32>,
        %parallel_loop3A_585 = arith.constant 24 : i32
        %parallel_loop3A_586 = vector.broadcast %parallel_loop3A_585 : i32 to vector<16xi32>
        %parallel_loop3A_587 = arith.addi %parallel_loop3A_272, %parallel_loop3A_586 : vector<16xi32>
        %parallel_loop3A_588 = tpu.vector_load_idx %arg7[%parallel_loop3A_259, %parallel_loop3A_587] : memref<256x128xf32, #tpu.memory_space<vmem>>[vector<16xi32>, vector<16xi32>], vector<16xf32>,
        %parallel_loop3A_589 = arith.constant 32 : i32
        %parallel_loop3A_590 = arith.muli %select_n3A_149, %parallel_loop3A_589 : i32
        %parallel_loop3A_591 = arith.constant 24 : i32
        %parallel_loop3A_592 = arith.addi %parallel_loop3A_590, %parallel_loop3A_591 : i32
        %parallel_loop3A_593 = arith.constant 16 : i32
        %parallel_loop3A_594 = arith.muli %parallel_loop3A_250, %parallel_loop3A_593 : i32
        %parallel_loop3A_595 = arith.index_cast %parallel_loop3A_592 : i32 to index
        %parallel_loop3A_596 = arith.index_cast %parallel_loop3A_594 : i32 to index
        %parallel_loop3A_597 = tpu.vector_load %arg8[%parallel_loop3A_595, %parallel_loop3A_596] {strides = array<i32>} : memref<64x128xf32, #tpu.memory_space<vmem>>, vector<16xf32>,
        tpu.vector_store %arg8[%parallel_loop3A_595, %parallel_loop3A_596], %parallel_loop3A_588 {strides = array<i32>} : memref<64x128xf32, #tpu.memory_space<vmem>>, vector<16xf32>,
        %parallel_loop3A_598 = arith.constant 25 : i32
        %parallel_loop3A_599 = vector.broadcast %parallel_loop3A_598 : i32 to vector<16xi32>
        %parallel_loop3A_600 = arith.addi %parallel_loop3A_272, %parallel_loop3A_599 : vector<16xi32>
        %parallel_loop3A_601 = tpu.vector_load_idx %arg7[%parallel_loop3A_259, %parallel_loop3A_600] : memref<256x128xf32, #tpu.memory_space<vmem>>[vector<16xi32>, vector<16xi32>], vector<16xf32>,
        %parallel_loop3A_602 = arith.constant 32 : i32
        %parallel_loop3A_603 = arith.muli %select_n3A_149, %parallel_loop3A_602 : i32
        %parallel_loop3A_604 = arith.constant 25 : i32
        %parallel_loop3A_605 = arith.addi %parallel_loop3A_603, %parallel_loop3A_604 : i32
        %parallel_loop3A_606 = arith.constant 16 : i32
        %parallel_loop3A_607 = arith.muli %parallel_loop3A_250, %parallel_loop3A_606 : i32
        %parallel_loop3A_608 = arith.index_cast %parallel_loop3A_605 : i32 to index
        %parallel_loop3A_609 = arith.index_cast %parallel_loop3A_607 : i32 to index
        %parallel_loop3A_610 = tpu.vector_load %arg8[%parallel_loop3A_608, %parallel_loop3A_609] {strides = array<i32>} : memref<64x128xf32, #tpu.memory_space<vmem>>, vector<16xf32>,
        tpu.vector_store %arg8[%parallel_loop3A_608, %parallel_loop3A_609], %parallel_loop3A_601 {strides = array<i32>} : memref<64x128xf32, #tpu.memory_space<vmem>>, vector<16xf32>,
        %parallel_loop3A_611 = arith.constant 26 : i32
        %parallel_loop3A_612 = vector.broadcast %parallel_loop3A_611 : i32 to vector<16xi32>
        %parallel_loop3A_613 = arith.addi %parallel_loop3A_272, %parallel_loop3A_612 : vector<16xi32>
        %parallel_loop3A_614 = tpu.vector_load_idx %arg7[%parallel_loop3A_259, %parallel_loop3A_613] : memref<256x128xf32, #tpu.memory_space<vmem>>[vector<16xi32>, vector<16xi32>], vector<16xf32>,
        %parallel_loop3A_615 = arith.constant 32 : i32
        %parallel_loop3A_616 = arith.muli %select_n3A_149, %parallel_loop3A_615 : i32
        %parallel_loop3A_617 = arith.constant 26 : i32
        %parallel_loop3A_618 = arith.addi %parallel_loop3A_616, %parallel_loop3A_617 : i32
        %parallel_loop3A_619 = arith.constant 16 : i32
        %parallel_loop3A_620 = arith.muli %parallel_loop3A_250, %parallel_loop3A_619 : i32
        %parallel_loop3A_621 = arith.index_cast %parallel_loop3A_618 : i32 to index
        %parallel_loop3A_622 = arith.index_cast %parallel_loop3A_620 : i32 to index
        %parallel_loop3A_623 = tpu.vector_load %arg8[%parallel_loop3A_621, %parallel_loop3A_622] {strides = array<i32>} : memref<64x128xf32, #tpu.memory_space<vmem>>, vector<16xf32>,
        tpu.vector_store %arg8[%parallel_loop3A_621, %parallel_loop3A_622], %parallel_loop3A_614 {strides = array<i32>} : memref<64x128xf32, #tpu.memory_space<vmem>>, vector<16xf32>,
        %parallel_loop3A_624 = arith.constant 27 : i32
        %parallel_loop3A_625 = vector.broadcast %parallel_loop3A_624 : i32 to vector<16xi32>
        %parallel_loop3A_626 = arith.addi %parallel_loop3A_272, %parallel_loop3A_625 : vector<16xi32>
        %parallel_loop3A_627 = tpu.vector_load_idx %arg7[%parallel_loop3A_259, %parallel_loop3A_626] : memref<256x128xf32, #tpu.memory_space<vmem>>[vector<16xi32>, vector<16xi32>], vector<16xf32>,
        %parallel_loop3A_628 = arith.constant 32 : i32
        %parallel_loop3A_629 = arith.muli %select_n3A_149, %parallel_loop3A_628 : i32
        %parallel_loop3A_630 = arith.constant 27 : i32
        %parallel_loop3A_631 = arith.addi %parallel_loop3A_629, %parallel_loop3A_630 : i32
        %parallel_loop3A_632 = arith.constant 16 : i32
        %parallel_loop3A_633 = arith.muli %parallel_loop3A_250, %parallel_loop3A_632 : i32
        %parallel_loop3A_634 = arith.index_cast %parallel_loop3A_631 : i32 to index
        %parallel_loop3A_635 = arith.index_cast %parallel_loop3A_633 : i32 to index
        %parallel_loop3A_636 = tpu.vector_load %arg8[%parallel_loop3A_634, %parallel_loop3A_635] {strides = array<i32>} : memref<64x128xf32, #tpu.memory_space<vmem>>, vector<16xf32>,
        tpu.vector_store %arg8[%parallel_loop3A_634, %parallel_loop3A_635], %parallel_loop3A_627 {strides = array<i32>} : memref<64x128xf32, #tpu.memory_space<vmem>>, vector<16xf32>,
        %parallel_loop3A_637 = arith.constant 28 : i32
        %parallel_loop3A_638 = vector.broadcast %parallel_loop3A_637 : i32 to vector<16xi32>
        %parallel_loop3A_639 = arith.addi %parallel_loop3A_272, %parallel_loop3A_638 : vector<16xi32>
        %parallel_loop3A_640 = tpu.vector_load_idx %arg7[%parallel_loop3A_259, %parallel_loop3A_639] : memref<256x128xf32, #tpu.memory_space<vmem>>[vector<16xi32>, vector<16xi32>], vector<16xf32>,
        %parallel_loop3A_641 = arith.constant 32 : i32
        %parallel_loop3A_642 = arith.muli %select_n3A_149, %parallel_loop3A_641 : i32
        %parallel_loop3A_643 = arith.constant 28 : i32
        %parallel_loop3A_644 = arith.addi %parallel_loop3A_642, %parallel_loop3A_643 : i32
        %parallel_loop3A_645 = arith.constant 16 : i32
        %parallel_loop3A_646 = arith.muli %parallel_loop3A_250, %parallel_loop3A_645 : i32
        %parallel_loop3A_647 = arith.index_cast %parallel_loop3A_644 : i32 to index
        %parallel_loop3A_648 = arith.index_cast %parallel_loop3A_646 : i32 to index
        %parallel_loop3A_649 = tpu.vector_load %arg8[%parallel_loop3A_647, %parallel_loop3A_648] {strides = array<i32>} : memref<64x128xf32, #tpu.memory_space<vmem>>, vector<16xf32>,
        tpu.vector_store %arg8[%parallel_loop3A_647, %parallel_loop3A_648], %parallel_loop3A_640 {strides = array<i32>} : memref<64x128xf32, #tpu.memory_space<vmem>>, vector<16xf32>,
        %parallel_loop3A_650 = arith.constant 29 : i32
        %parallel_loop3A_651 = vector.broadcast %parallel_loop3A_650 : i32 to vector<16xi32>
        %parallel_loop3A_652 = arith.addi %parallel_loop3A_272, %parallel_loop3A_651 : vector<16xi32>
        %parallel_loop3A_653 = tpu.vector_load_idx %arg7[%parallel_loop3A_259, %parallel_loop3A_652] : memref<256x128xf32, #tpu.memory_space<vmem>>[vector<16xi32>, vector<16xi32>], vector<16xf32>,
        %parallel_loop3A_654 = arith.constant 32 : i32
        %parallel_loop3A_655 = arith.muli %select_n3A_149, %parallel_loop3A_654 : i32
        %parallel_loop3A_656 = arith.constant 29 : i32
        %parallel_loop3A_657 = arith.addi %parallel_loop3A_655, %parallel_loop3A_656 : i32
        %parallel_loop3A_658 = arith.constant 16 : i32
        %parallel_loop3A_659 = arith.muli %parallel_loop3A_250, %parallel_loop3A_658 : i32
        %parallel_loop3A_660 = arith.index_cast %parallel_loop3A_657 : i32 to index
        %parallel_loop3A_661 = arith.index_cast %parallel_loop3A_659 : i32 to index
        %parallel_loop3A_662 = tpu.vector_load %arg8[%parallel_loop3A_660, %parallel_loop3A_661] {strides = array<i32>} : memref<64x128xf32, #tpu.memory_space<vmem>>, vector<16xf32>,
        tpu.vector_store %arg8[%parallel_loop3A_660, %parallel_loop3A_661], %parallel_loop3A_653 {strides = array<i32>} : memref<64x128xf32, #tpu.memory_space<vmem>>, vector<16xf32>,
        %parallel_loop3A_663 = arith.constant 30 : i32
        %parallel_loop3A_664 = vector.broadcast %parallel_loop3A_663 : i32 to vector<16xi32>
        %parallel_loop3A_665 = arith.addi %parallel_loop3A_272, %parallel_loop3A_664 : vector<16xi32>
        %parallel_loop3A_666 = tpu.vector_load_idx %arg7[%parallel_loop3A_259, %parallel_loop3A_665] : memref<256x128xf32, #tpu.memory_space<vmem>>[vector<16xi32>, vector<16xi32>], vector<16xf32>,
        %parallel_loop3A_667 = arith.constant 32 : i32
        %parallel_loop3A_668 = arith.muli %select_n3A_149, %parallel_loop3A_667 : i32
        %parallel_loop3A_669 = arith.constant 30 : i32
        %parallel_loop3A_670 = arith.addi %parallel_loop3A_668, %parallel_loop3A_669 : i32
        %parallel_loop3A_671 = arith.constant 16 : i32
        %parallel_loop3A_672 = arith.muli %parallel_loop3A_250, %parallel_loop3A_671 : i32
        %parallel_loop3A_673 = arith.index_cast %parallel_loop3A_670 : i32 to index
        %parallel_loop3A_674 = arith.index_cast %parallel_loop3A_672 : i32 to index
        %parallel_loop3A_675 = tpu.vector_load %arg8[%parallel_loop3A_673, %parallel_loop3A_674] {strides = array<i32>} : memref<64x128xf32, #tpu.memory_space<vmem>>, vector<16xf32>,
        tpu.vector_store %arg8[%parallel_loop3A_673, %parallel_loop3A_674], %parallel_loop3A_666 {strides = array<i32>} : memref<64x128xf32, #tpu.memory_space<vmem>>, vector<16xf32>,
        %parallel_loop3A_676 = arith.constant 31 : i32
        %parallel_loop3A_677 = vector.broadcast %parallel_loop3A_676 : i32 to vector<16xi32>
        %parallel_loop3A_678 = arith.addi %parallel_loop3A_272, %parallel_loop3A_677 : vector<16xi32>
        %parallel_loop3A_679 = tpu.vector_load_idx %arg7[%parallel_loop3A_259, %parallel_loop3A_678] : memref<256x128xf32, #tpu.memory_space<vmem>>[vector<16xi32>, vector<16xi32>], vector<16xf32>,
        %parallel_loop3A_680 = arith.constant 32 : i32
        %parallel_loop3A_681 = arith.muli %select_n3A_149, %parallel_loop3A_680 : i32
        %parallel_loop3A_682 = arith.constant 31 : i32
        %parallel_loop3A_683 = arith.addi %parallel_loop3A_681, %parallel_loop3A_682 : i32
        %parallel_loop3A_684 = arith.constant 16 : i32
        %parallel_loop3A_685 = arith.muli %parallel_loop3A_250, %parallel_loop3A_684 : i32
        %parallel_loop3A_686 = arith.index_cast %parallel_loop3A_683 : i32 to index
        %parallel_loop3A_687 = arith.index_cast %parallel_loop3A_685 : i32 to index
        %parallel_loop3A_688 = tpu.vector_load %arg8[%parallel_loop3A_686, %parallel_loop3A_687] {strides = array<i32>} : memref<64x128xf32, #tpu.memory_space<vmem>>, vector<16xf32>,
        tpu.vector_store %arg8[%parallel_loop3A_686, %parallel_loop3A_687], %parallel_loop3A_679 {strides = array<i32>} : memref<64x128xf32, #tpu.memory_space<vmem>>, vector<16xf32>,
      } {sc.loop_unroll_factor = 1 : i64, sc.parallel_access}
      %mul3A_191 = arith.constant 104 : i32
      %mul3A_192 = arith.muli %add3A, %mul3A_191 : i32
      %add3A_193 = arith.addi %mul3A_192, %scan3A_133 : i32
      %jit3A_194 = arith.constant 128 : i32
      %div3A_195 = arith.divsi %add3A_193, %jit3A_194 : i32
      %sign3A_196 = arith.constant 0 : i32
      %sign3A_197 = arith.cmpi sgt, %add3A_193, %sign3A_196 : i32
      %sign3A_198 = arith.extui %sign3A_197 : i1 to i32
      %sign3A_199 = arith.constant 0 : i32
      %sign3A_200 = arith.cmpi slt, %add3A_193, %sign3A_199 : i32
      %sign3A_201 = arith.extui %sign3A_200 : i1 to i32
      %sign3A_202 = arith.subi %sign3A_198, %sign3A_201 : i32
      %sign3A_203 = arith.constant 0 : i32
      %sign3A_204 = arith.cmpi sgt, %jit3A_194, %sign3A_203 : i32
      %sign3A_205 = arith.extui %sign3A_204 : i1 to i32
      %sign3A_206 = arith.constant 0 : i32
      %sign3A_207 = arith.cmpi slt, %jit3A_194, %sign3A_206 : i32
      %sign3A_208 = arith.extui %sign3A_207 : i1 to i32
      %sign3A_209 = arith.subi %sign3A_205, %sign3A_208 : i32
      %ne3A_210 = arith.cmpi ne, %sign3A_202, %sign3A_209 : i32
      %rem3A_211 = arith.remsi %add3A_193, %jit3A_194 : i32
      %ne3A_212 = arith.constant 0 : i32
      %ne3A_213 = arith.cmpi ne, %rem3A_211, %ne3A_212 : i32
      %and3A_214 = arith.andi %ne3A_210, %ne3A_213 : i1
      %sub3A_215 = arith.constant 1 : i32
      %sub3A_216 = arith.subi %div3A_195, %sub3A_215 : i32
      %select_n3A_217 = arith.select %and3A_214, %sub3A_216, %div3A_195 : i32
      %jit3A_218 = arith.constant 128 : i32
      %eq3A_219 = arith.constant 0 : i32
      %eq3A_220 = arith.cmpi eq, %jit3A_218, %eq3A_219 : i32
      %jit3A_221 = arith.constant 1 : i32
      %select_n3A_222 = arith.select %eq3A_220, %jit3A_221, %jit3A_218 : i32
      %rem3A_223 = arith.remsi %add3A_193, %select_n3A_222 : i32
      %ne3A_224 = arith.constant 0 : i32
      %ne3A_225 = arith.cmpi ne, %rem3A_223, %ne3A_224 : i32
      %lt3A_226 = arith.constant 0 : i32
      %lt3A_227 = arith.cmpi slt, %rem3A_223, %lt3A_226 : i32
      %lt3A_228 = arith.constant 0 : i32
      %lt3A_229 = arith.cmpi slt, %select_n3A_222, %lt3A_228 : i32
      %ne3A_230 = arith.xori %lt3A_227, %lt3A_229 : i1
      %and3A_231 = arith.andi %ne3A_230, %ne3A_225 : i1
      %add3A_232 = arith.addi %rem3A_223, %select_n3A_222 : i32
      %select_n3A_233 = arith.select %and3A_231, %add3A_232, %rem3A_223 : i32
      %mul3A_234 = arith.constant 32 : i32
      %mul3A_235 = arith.muli %select_n3A_149, %mul3A_234 : i32
      %mul3A_236 = arith.constant 128 : i32
      %mul3A_237 = arith.muli %select_n3A_233, %mul3A_236 : i32
      %dma_start3A_238 = arith.constant 0 : i32
      %dma_start3A_239 = tpu.memref_slice %arg8[%mul3A_235, %dma_start3A_238] : memref<64x128xf32, #tpu.memory_space<vmem>> -> memref<32x128xf32, #tpu.memory_space<vmem>>
      %dma_start3A_240 = arith.constant 0 : i32
      %dma_start3A_241 = tpu.memref_slice %arg4[%select_n3A_217, %dma_start3A_240, %mul3A_237] : memref<26x32x16384xf32, #tpu.memory_space<hbm>> -> memref<1x32x128xf32, #tpu.memory_space<hbm>>
      %dma_start3A_242 = tpu.memref_squeeze %dma_start3A_241 : memref<1x32x128xf32, #tpu.memory_space<hbm>> -> memref<32x128xf32, #tpu.memory_space<hbm>>
      %dma_start3A_243 = tpu.memref_slice %arg10[%select_n3A_149] : memref<2x!tpu.dma_semaphore, #tpu.memory_space<semaphore_mem>> -> memref<1x!tpu.dma_semaphore, #tpu.memory_space<semaphore_mem>>
      %dma_start3A_244 = tpu.memref_squeeze %dma_start3A_243 : memref<1x!tpu.dma_semaphore, #tpu.memory_space<semaphore_mem>> -> memref<!tpu.dma_semaphore, #tpu.memory_space<semaphore_mem>>
      %dma_start3A_245 = arith.constant 0 : i32
      %dma_start3A_246 = tpu.memref_slice %arg4[%select_n3A_217, %dma_start3A_245, %mul3A_237] : memref<26x32x16384xf32, #tpu.memory_space<hbm>> -> memref<1x32x128xf32, #tpu.memory_space<hbm>>
      %dma_start3A_247 = tpu.memref_squeeze %dma_start3A_246 : memref<1x32x128xf32, #tpu.memory_space<hbm>> -> memref<32x128xf32, #tpu.memory_space<hbm>>
      %dma_start3A_248 = arith.constant 0 : i32
      %dma_start3A_249 = tpu.memref_slice %arg8[%mul3A_235, %dma_start3A_248] : memref<64x128xf32, #tpu.memory_space<vmem>> -> memref<32x128xf32, #tpu.memory_space<vmem>>
      tpu.enqueue_dma source(%dma_start3A_249 : memref<32x128xf32, #tpu.memory_space<vmem>>) target(%dma_start3A_247 : memref<32x128xf32, #tpu.memory_space<hbm>>) target_semaphore(%dma_start3A_244 : memref<!tpu.dma_semaphore, #tpu.memory_space<semaphore_mem>>)
    }
    %scan3A_21 = arith.constant 104 : i32
    %mul3A_22 = arith.constant 104 : i32
    %mul3A_23 = arith.muli %add3A, %mul3A_22 : i32
    %add3A_24 = arith.constant 102 : i32
    %add3A_25 = arith.addi %mul3A_23, %add3A_24 : i32
    %jit3A = arith.constant 128 : i32
    %div3A = arith.divsi %add3A_25, %jit3A : i32
    %sign3A = arith.constant 0 : i32
    %sign3A_26 = arith.cmpi sgt, %add3A_25, %sign3A : i32
    %sign3A_27 = arith.extui %sign3A_26 : i1 to i32
    %sign3A_28 = arith.constant 0 : i32
    %sign3A_29 = arith.cmpi slt, %add3A_25, %sign3A_28 : i32
    %sign3A_30 = arith.extui %sign3A_29 : i1 to i32
    %sign3A_31 = arith.subi %sign3A_27, %sign3A_30 : i32
    %sign3A_32 = arith.constant 0 : i32
    %sign3A_33 = arith.cmpi sgt, %jit3A, %sign3A_32 : i32
    %sign3A_34 = arith.extui %sign3A_33 : i1 to i32
    %sign3A_35 = arith.constant 0 : i32
    %sign3A_36 = arith.cmpi slt, %jit3A, %sign3A_35 : i32
    %sign3A_37 = arith.extui %sign3A_36 : i1 to i32
    %sign3A_38 = arith.subi %sign3A_34, %sign3A_37 : i32
    %ne3A = arith.cmpi ne, %sign3A_31, %sign3A_38 : i32
    %rem3A = arith.remsi %add3A_25, %jit3A : i32
    %ne3A_39 = arith.constant 0 : i32
    %ne3A_40 = arith.cmpi ne, %rem3A, %ne3A_39 : i32
    %and3A = arith.andi %ne3A, %ne3A_40 : i1
    %sub3A = arith.constant 1 : i32
    %sub3A_41 = arith.subi %div3A, %sub3A : i32
    %select_n3A = arith.select %and3A, %sub3A_41, %div3A : i32
    %jit3A_42 = arith.constant 128 : i32
    %eq3A = arith.constant 0 : i32
    %eq3A_43 = arith.cmpi eq, %jit3A_42, %eq3A : i32
    %jit3A_44 = arith.constant 1 : i32
    %select_n3A_45 = arith.select %eq3A_43, %jit3A_44, %jit3A_42 : i32
    %rem3A_46 = arith.remsi %add3A_25, %select_n3A_45 : i32
    %ne3A_47 = arith.constant 0 : i32
    %ne3A_48 = arith.cmpi ne, %rem3A_46, %ne3A_47 : i32
    %lt3A = arith.constant 0 : i32
    %lt3A_49 = arith.cmpi slt, %rem3A_46, %lt3A : i32
    %lt3A_50 = arith.constant 0 : i32
    %lt3A_51 = arith.cmpi slt, %select_n3A_45, %lt3A_50 : i32
    %ne3A_52 = arith.xori %lt3A_49, %lt3A_51 : i1
    %and3A_53 = arith.andi %ne3A_52, %ne3A_48 : i1
    %add3A_54 = arith.addi %rem3A_46, %select_n3A_45 : i32
    %select_n3A_55 = arith.select %and3A_53, %add3A_54, %rem3A_46 : i32
    %mul3A_56 = arith.constant 128 : i32
    %mul3A_57 = arith.muli %select_n3A_55, %mul3A_56 : i32
    %dma_wait3A = arith.constant 0 : i32
    %dma_wait3A_58 = arith.constant 0 : i32
    %dma_wait3A_59 = arith.constant 0 : i32
    %dma_wait3A_60 = tpu.memref_slice %arg8[%dma_wait3A_58, %dma_wait3A_59] : memref<64x128xf32, #tpu.memory_space<vmem>> -> memref<32x128xf32, #tpu.memory_space<vmem>>
    %dma_wait3A_61 = arith.constant 0 : i32
    %dma_wait3A_62 = tpu.memref_slice %arg4[%select_n3A, %dma_wait3A_61, %mul3A_57] : memref<26x32x16384xf32, #tpu.memory_space<hbm>> -> memref<1x32x128xf32, #tpu.memory_space<hbm>>
    %dma_wait3A_63 = tpu.memref_squeeze %dma_wait3A_62 : memref<1x32x128xf32, #tpu.memory_space<hbm>> -> memref<32x128xf32, #tpu.memory_space<hbm>>
    %dma_wait3A_64 = tpu.memref_slice %arg10[%dma_wait3A] : memref<2x!tpu.dma_semaphore, #tpu.memory_space<semaphore_mem>> -> memref<1x!tpu.dma_semaphore, #tpu.memory_space<semaphore_mem>>
    %dma_wait3A_65 = tpu.memref_squeeze %dma_wait3A_64 : memref<1x!tpu.dma_semaphore, #tpu.memory_space<semaphore_mem>> -> memref<!tpu.dma_semaphore, #tpu.memory_space<semaphore_mem>>
    %dma_wait3A_66 = arith.constant 0 : i32
    %dma_wait3A_67 = tpu.memref_slice %arg4[%select_n3A, %dma_wait3A_66, %mul3A_57] : memref<26x32x16384xf32, #tpu.memory_space<hbm>> -> memref<1x32x128xf32, #tpu.memory_space<hbm>>
    %dma_wait3A_68 = tpu.memref_squeeze %dma_wait3A_67 : memref<1x32x128xf32, #tpu.memory_space<hbm>> -> memref<32x128xf32, #tpu.memory_space<hbm>>
    %dma_wait3A_69 = arith.constant 0 : i32
    %dma_wait3A_70 = arith.constant 0 : i32
    %dma_wait3A_71 = tpu.memref_slice %arg8[%dma_wait3A_69, %dma_wait3A_70] : memref<64x128xf32, #tpu.memory_space<vmem>> -> memref<32x128xf32, #tpu.memory_space<vmem>>
    tpu.wait_dma2 semaphore(%dma_wait3A_65 : memref<!tpu.dma_semaphore, #tpu.memory_space<semaphore_mem>>) src(%dma_wait3A_71 : memref<32x128xf32, #tpu.memory_space<vmem>>) dst(%dma_wait3A_68 : memref<32x128xf32, #tpu.memory_space<hbm>>)
    %mul3A_72 = arith.constant 104 : i32
    %mul3A_73 = arith.muli %add3A, %mul3A_72 : i32
    %add3A_74 = arith.constant 103 : i32
    %add3A_75 = arith.addi %mul3A_73, %add3A_74 : i32
    %jit3A_76 = arith.constant 128 : i32
    %div3A_77 = arith.divsi %add3A_75, %jit3A_76 : i32
    %sign3A_78 = arith.constant 0 : i32
    %sign3A_79 = arith.cmpi sgt, %add3A_75, %sign3A_78 : i32
    %sign3A_80 = arith.extui %sign3A_79 : i1 to i32
    %sign3A_81 = arith.constant 0 : i32
    %sign3A_82 = arith.cmpi slt, %add3A_75, %sign3A_81 : i32
    %sign3A_83 = arith.extui %sign3A_82 : i1 to i32
    %sign3A_84 = arith.subi %sign3A_80, %sign3A_83 : i32
    %sign3A_85 = arith.constant 0 : i32
    %sign3A_86 = arith.cmpi sgt, %jit3A_76, %sign3A_85 : i32
    %sign3A_87 = arith.extui %sign3A_86 : i1 to i32
    %sign3A_88 = arith.constant 0 : i32
    %sign3A_89 = arith.cmpi slt, %jit3A_76, %sign3A_88 : i32
    %sign3A_90 = arith.extui %sign3A_89 : i1 to i32
    %sign3A_91 = arith.subi %sign3A_87, %sign3A_90 : i32
    %ne3A_92 = arith.cmpi ne, %sign3A_84, %sign3A_91 : i32
    %rem3A_93 = arith.remsi %add3A_75, %jit3A_76 : i32
    %ne3A_94 = arith.constant 0 : i32
    %ne3A_95 = arith.cmpi ne, %rem3A_93, %ne3A_94 : i32
    %and3A_96 = arith.andi %ne3A_92, %ne3A_95 : i1
    %sub3A_97 = arith.constant 1 : i32
    %sub3A_98 = arith.subi %div3A_77, %sub3A_97 : i32
    %select_n3A_99 = arith.select %and3A_96, %sub3A_98, %div3A_77 : i32
    %jit3A_100 = arith.constant 128 : i32
    %eq3A_101 = arith.constant 0 : i32
    %eq3A_102 = arith.cmpi eq, %jit3A_100, %eq3A_101 : i32
    %jit3A_103 = arith.constant 1 : i32
    %select_n3A_104 = arith.select %eq3A_102, %jit3A_103, %jit3A_100 : i32
    %rem3A_105 = arith.remsi %add3A_75, %select_n3A_104 : i32
    %ne3A_106 = arith.constant 0 : i32
    %ne3A_107 = arith.cmpi ne, %rem3A_105, %ne3A_106 : i32
    %lt3A_108 = arith.constant 0 : i32
    %lt3A_109 = arith.cmpi slt, %rem3A_105, %lt3A_108 : i32
    %lt3A_110 = arith.constant 0 : i32
    %lt3A_111 = arith.cmpi slt, %select_n3A_104, %lt3A_110 : i32
    %ne3A_112 = arith.xori %lt3A_109, %lt3A_111 : i1
    %and3A_113 = arith.andi %ne3A_112, %ne3A_107 : i1
    %add3A_114 = arith.addi %rem3A_105, %select_n3A_104 : i32
    %select_n3A_115 = arith.select %and3A_113, %add3A_114, %rem3A_105 : i32
    %mul3A_116 = arith.constant 128 : i32
    %mul3A_117 = arith.muli %select_n3A_115, %mul3A_116 : i32
    %dma_wait3A_118 = arith.constant 1 : i32
    %dma_wait3A_119 = arith.constant 32 : i32
    %dma_wait3A_120 = arith.constant 0 : i32
    %dma_wait3A_121 = tpu.memref_slice %arg8[%dma_wait3A_119, %dma_wait3A_120] : memref<64x128xf32, #tpu.memory_space<vmem>> -> memref<32x128xf32, #tpu.memory_space<vmem>>
    %dma_wait3A_122 = arith.constant 0 : i32
    %dma_wait3A_123 = tpu.memref_slice %arg4[%select_n3A_99, %dma_wait3A_122, %mul3A_117] : memref<26x32x16384xf32, #tpu.memory_space<hbm>> -> memref<1x32x128xf32, #tpu.memory_space<hbm>>
    %dma_wait3A_124 = tpu.memref_squeeze %dma_wait3A_123 : memref<1x32x128xf32, #tpu.memory_space<hbm>> -> memref<32x128xf32, #tpu.memory_space<hbm>>
    %dma_wait3A_125 = tpu.memref_slice %arg10[%dma_wait3A_118] : memref<2x!tpu.dma_semaphore, #tpu.memory_space<semaphore_mem>> -> memref<1x!tpu.dma_semaphore, #tpu.memory_space<semaphore_mem>>
    %dma_wait3A_126 = tpu.memref_squeeze %dma_wait3A_125 : memref<1x!tpu.dma_semaphore, #tpu.memory_space<semaphore_mem>> -> memref<!tpu.dma_semaphore, #tpu.memory_space<semaphore_mem>>
    %dma_wait3A_127 = arith.constant 0 : i32
    %dma_wait3A_128 = tpu.memref_slice %arg4[%select_n3A_99, %dma_wait3A_127, %mul3A_117] : memref<26x32x16384xf32, #tpu.memory_space<hbm>> -> memref<1x32x128xf32, #tpu.memory_space<hbm>>
    %dma_wait3A_129 = tpu.memref_squeeze %dma_wait3A_128 : memref<1x32x128xf32, #tpu.memory_space<hbm>> -> memref<32x128xf32, #tpu.memory_space<hbm>>
    %dma_wait3A_130 = arith.constant 32 : i32
    %dma_wait3A_131 = arith.constant 0 : i32
    %dma_wait3A_132 = tpu.memref_slice %arg8[%dma_wait3A_130, %dma_wait3A_131] : memref<64x128xf32, #tpu.memory_space<vmem>> -> memref<32x128xf32, #tpu.memory_space<vmem>>
    tpu.wait_dma2 semaphore(%dma_wait3A_126 : memref<!tpu.dma_semaphore, #tpu.memory_space<semaphore_mem>>) src(%dma_wait3A_132 : memref<32x128xf32, #tpu.memory_space<vmem>>) dst(%dma_wait3A_129 : memref<32x128xf32, #tpu.memory_space<hbm>>)
    return
  }
}

</mosaic_0001>

<sc_bundles>
// kernel: kernel.3.cloned.1.call-start
scs
__scs_entry_jumppad:
0x0: {  	(pc) =	sbr.rel $0x88, $3  }
0x1: {  	(tag) =	ssettag $0x0;
	lr =	simm.s32 $0x1  }
0x2: {  	[smem:$0x3F9F] =	sst lr;
	_ =	strace $0xD0000000  }
0x3: {  	_ = 	snop  }
0x4: {  	_ = 	snop  }
0x5: {  	_ = 	snop  }
0x6: {  	_ = 	snop  }
0x7: {  	_ = 	snop  }
__scs_overlays_trampoline_lowered:
0x8: {  	[smem:$0x3FAE] =	sst s0  }
0x9: {  	[smem:$0x3FAF] =	sst s1  }
0xa: {  	[smem:$0x3FB0] =	sst s2  }
0xb: {  	[smem:$0x3FB1] =	sst s3  }
0xc: {  	[smem:$0x3FB2] =	sst s4  }
0xd: {  	[smem:$0x3FB3] =	sst s5  }
0xe: {  	[smem:$0x3FB4] =	sst s6  }
0xf: {  	[smem:$0x3FB5] =	sst s7  }
0x10: {  	[smem:$0x3FB6] =	sst s8  }
0x11: {  	[smem:$0x3FB7] =	sst s9;
	s0 =	simm.s32 @!p0 $0x0  }
0x12: {  	s1 =	sld [smem:$0x3F9D];
	s0 =	simm.s32 @p0 $0x1  }
0x13: {  	[smem:$0x3FB8] =	sst s0;
	s0 =	simm.s32 @!p1 $0x0  }
0x14: {  	s2 =	sld [smem:$0x3F9C];
	s0 =	simm.s32 @p1 $0x1  }
0x15: {  	[smem:$0x3FB9] =	sst s0;
	s0 =	simm.s32 @!p2 $0x0  }
0x16: {  	s3 =	sld [smem:$0x3FDB];
	s0 =	simm.s32 @p2 $0x1  }
0x17: {  	s4 =	simm.s32 $0x1BF5;
	[smem:$0x3FBB] =	sst s0  }
0x18: {  	s0 =	sld [smem:$0x3F9E];
	_ =	swait.ge [sflag:s4], $0x0  }
0x19: {  	s7 =	sld [smem:$0x3F9F]  }
0x1a: {  	s8 =	sadd.s32 $0xFFFFE003, lr  }
0x1b: {  	s9 =	sadd.s32 $0xFFFFFEF7, lr;
	s5 =	simm.s32 $0xFFFFFFFF;
	p2 =	slt.u32 s8, $0xFFFFF086  }
0x1c: {  	p1 =	slt.u32 s9, $0xF7A;
	s5 =	simm.s32 @!p2 $0x0  }
0x1d: {  	s5 =	simm.s32 @p1 $0x1;
	p0 =	seq.s32 s7, s2  }
0x1e: {  	s7 =	smul.u32 @!p0 $0xF7A, s2;
	p2 =	seq.s32 @!p0 s5, $0x0  }
0x1f: {  	s9 =	smul.u32 $0xF7A, s1;
	s8 =	simm.s32 @!p0 $0x1BF5;
	p2 =	por !p2, p0  }
0x20: {  	[sflag:s8] =	ssyncset.s32 @!p0 $0xFFFFF086;
	s6 =	sadd.s32 @!p0 s3, s7;
	s7 =	simm.s32 @!p0 $0x108  }
0x21: {  	s3 =	sadd.s32 s3, s9;
	s6 =	sadd.s32 @!p0 $0x88, s6;
	s7 =	simm.s32 @p2 $0x1082  }
0x22: {  	[simem:s7], [sflag:s8] =	dma.local @!p0 [hbm:s6], $0xF7A  }
0x23: {  	s9 =	sor.u32 $0xD0000000, s2;
	s6 =	simm.s32 $0x108;
	_ =	swait.ge @!p0 [sflag:s8], $0x0  }
0x24: {  	s3 =	sadd.s32 $0x88, s3;
	s6 =	simm.s32 @!p1 $0x1082;
	[sflag:s4] =	ssyncset.s32 $0xFFFFF086  }
0x25: {  	[simem:s6], [sflag:s4] =	dma.local [hbm:s3], $0xF7A  }
0x26: {  	[smem:$0x3F9F] =	sst s1;
	(tag) =	ssettag s2;
	_ =	strace s9  }
0x27: {  	s1 =	sld [smem:$0x3FAF]  }
0x28: {  	s2 =	sld [smem:$0x3FB0]  }
0x29: {  	s4 =	sld [smem:$0x3FB2]  }
0x2a: {  	p0 =	seq.s32 s5, $0x0;
	s5 =	sld [smem:$0x3FB3]  }
0x2b: {  	s6 =	sld [smem:$0x3FB4]  }
0x2c: {  	s7 =	sld [smem:$0x3FB5]  }
0x2d: {  	s3 =	simm.s32 $0x108;
	s8 =	sld [smem:$0x3FB6]  }
0x2e: {  	s3 =	simm.s32 @!p0 $0x1082;
	s9 =	sld [smem:$0x3FB7]  }
0x2f: {  	lr =	sadd.s32 s0, s3;
	s0 =	sld [smem:$0x3FAE]  }
0x30: {  	s3 =	sld [smem:$0x3FB1]  }
0x31: {  	[smem:$0x3FBA] =	sst s10  }
0x32: {  	s10 =	sld [smem:$0x3FB8];
	_ =	sdelay $0x3  }
0x33: {  	p0 =	seq.s32 s10, $0x1;
	s10 =	sld [smem:$0x3FBA];
	_ =	sdelay $0x3  }
0x34: {  	[smem:$0x3FBA] =	sst s10  }
0x35: {  	s10 =	sld [smem:$0x3FB9];
	_ =	sdelay $0x3  }
0x36: {  	p1 =	seq.s32 s10, $0x1;
	s10 =	sld [smem:$0x3FBA];
	_ =	sdelay $0x3  }
0x37: {  	[smem:$0x3FBA] =	sst s10  }
0x38: {  	s10 =	sld [smem:$0x3FBB]  }
0x39: {  	_ = 	snop;
	(pc) =	sbr.ind lr, $3  }
0x3a: {  	_ = 	snop  }
0x3b: {  	_ = 	snop  }
0x3c: {  	p2 =	seq.s32 s10, $0x1;
	s10 =	sld [smem:$0x3FBA]  }
0x3d: {  	_ =	shalt  }
0x3e: {  	_ =	shalt  }
0x3f: {  	_ =	shalt  }
0x40: {  	_ =	shalt  }
0x41: {  	_ =	shalt  }
0x42: {  	_ =	shalt  }
0x43: {  	_ =	shalt  }
0x44: {  	_ =	shalt  }
0x45: {  	_ =	shalt  }
0x46: {  	_ =	shalt  }
0x47: {  	_ =	shalt  }
0x48: {  	_ =	shalt  }
0x49: {  	_ =	shalt  }
0x4a: {  	_ =	shalt  }
0x4b: {  	_ =	shalt  }
0x4c: {  	_ =	shalt  }
0x4d: {  	_ =	shalt  }
0x4e: {  	_ =	shalt  }
0x4f: {  	_ =	shalt  }
0x50: {  	_ =	shalt  }
0x51: {  	_ =	shalt  }
0x52: {  	_ =	shalt  }
0x53: {  	_ =	shalt  }
0x54: {  	_ =	shalt  }
0x55: {  	_ =	shalt  }
0x56: {  	_ =	shalt  }
0x57: {  	_ =	shalt  }
0x58: {  	_ =	shalt  }
0x59: {  	_ =	shalt  }
0x5a: {  	_ =	shalt  }
0x5b: {  	_ =	shalt  }
0x5c: {  	_ =	shalt  }
0x5d: {  	_ =	shalt  }
0x5e: {  	_ =	shalt  }
0x5f: {  	_ =	shalt  }
0x60: {  	_ =	shalt  }
0x61: {  	_ =	shalt  }
0x62: {  	_ =	shalt  }
0x63: {  	_ =	shalt  }
0x64: {  	_ =	shalt  }
0x65: {  	_ =	shalt  }
0x66: {  	_ =	shalt  }
0x67: {  	_ =	shalt  }
0x68: {  	_ =	shalt  }
0x69: {  	_ =	shalt  }
0x6a: {  	_ =	shalt  }
0x6b: {  	_ =	shalt  }
0x6c: {  	_ =	shalt  }
0x6d: {  	_ =	shalt  }
0x6e: {  	_ =	shalt  }
0x6f: {  	_ =	shalt  }
0x70: {  	_ =	shalt  }
0x71: {  	_ =	shalt  }
0x72: {  	_ =	shalt  }
0x73: {  	_ =	shalt  }
0x74: {  	_ =	shalt  }
0x75: {  	_ =	shalt  }
0x76: {  	_ =	shalt  }
0x77: {  	_ =	shalt  }
0x78: {  	_ =	shalt  }
0x79: {  	_ =	shalt  }
0x7a: {  	_ =	shalt  }
0x7b: {  	_ =	shalt  }
0x7c: {  	_ =	shalt  }
0x7d: {  	_ =	shalt  }
0x7e: {  	_ =	shalt  }
0x7f: {  	_ =	shalt  }
0x80: {  	_ =	shalt  }
0x81: {  	_ =	shalt  }
0x82: {  	_ =	shalt  }
0x83: {  	_ =	shalt  }
0x84: {  	_ =	shalt  }
0x85: {  	_ =	shalt  }
0x86: {  	_ =	shalt  }
0x87: {  	_ =	shalt  }
.Lfunc_end0:
.L_simem_size_0:
called_computation_lowered:
.L_overlay_start_0:
0x88: {  	s2 =	sld [smem:$0x3FD9]  }
0x89: {  	s3 =	sld [smem:$0x3FFE];
	_ =	sdelay $0x1  }
0x8a: {  	s1 =	srdreg.scid  }
0x8b: {  	s0 =	sand.u32 $0x1, s1  }
0x8c: {  	s17 =	sshll.u32 s0, $0xA;
	s2 =	sadd.s32 s3, s2  }
0x8d: {  	s2 =	sadd.s32 s2, s17  }
0x8e: {  	[smem:$0x3FC6] =	sst s2  }
0x8f: {  	_ = 	snop  }
0x90: {  	s2 =	sld [smem:$0x3FD0];
	(tm) =	ssettm $0x1  }
0x91: {  	s18 =	sld [smem:$0x3FFB];
	_ =	sdelay $0x3  }
0x92: {  	_ =	strace s18  }
0x93: {  	s3 =	sld [smem:$0x3FFC];
	_ =	sdelay $0x3  }
0x94: {  	_ =	strace s3  }
0x95: {  	s3 =	sld [smem:$0x3FFD];
	_ =	sdelay $0x3  }
0x96: {  	_ =	strace s3  }
0x97: {  	_ =	strace $0x8FFFFFFF  }
0x98: {  	s19 =	sld [smem:$0x3FDB];
	_ =	sdelay $0x1  }
0x99: {  	s4 =	simm.s32 $_scs_section_size  }
0x9a: {  	s5 =	simm.s32 $_size__tile_overlayer_lowered;
	s6 =	simm.s32 $_tile_overlayer_lowered  }
0x9b: {  	s22 =	simm.s32 $0x1BFF;
	s21 =	sshll.u32 s6, $0x1;
	s3 =	sadd.s32 s4, s19  }
0x9c: {  	s7 =	simm.s32 $0x0;
	s20 =	sshll.u32 s5, $0x1;
	s5 =	sadd.s32 s21, s3  }
0x9d: {  	[timem:s7], [sflag:s22] =	dma.local [hbm:s5], s20  }
0x9e: {  	_ =	swait.ge [sflag:s22], s20  }
0x9f: {  	s4 =	ssub.s32 $0x0, s20;
	[sflag:s22] =	ssyncset.done $0x0  }
0xa0: {  	[sflag:s22] =	ssyncadd.s32 s4;
	_ =	sdelay $0x1  }
0xa1: {  	s23 =	simm.s32 $0x1B8B  }
0xa2: {  	_ =	swait.ge [sflag:s23], $0x1  }
0xa3: {  	[sflag:s23] =	ssyncset.done $0x0  }
0xa4: {  	s25 =	simm.s32 $0x1B8E;
	s24 =	sld [smem:$0x3FFE];
	[sflag:s23] =	ssyncadd.s32 $0xFFFFFFFF  }
0xa5: {  	s26 =	simm.s32 $execute0_lowered;
	[smem:$0x3FD2] =	sst s25  }
0xa6: {  	s5 =	sshll.u32 s26, $0x1;
	_ =	strace $0x80000046;
	[dreg:$0x1] =	wrdreg $0xFFFFFFFF  }
0xa7: {  	s28 =	simm.s32 $_size_execute0_lowered;
	s3 =	sadd.s32 s3, s5;
	[dreg:$0x0] =	wrdreg $0x0  }
0xa8: {  	s5 =	sshll.u32 s28, $0x1;
	[dreg:$0x2] =	wrdreg s3  }
0xa9: {  	[dreg:$0x3] =	wrdreg s5  }
0xaa: {  	[dreg:$0x4] =	wrdreg $0xC0  }
0xab: {  	_ =	task [dreg:s7], $0x5FFFF  }
0xac: {  	[dreg:$0x1] =	wrdreg $0xFFFFFFFF  }
0xad: {  	[dreg:$0x0] =	wrdreg $0x60  }
0xae: {  	[dreg:$0x2] =	wrdreg s24  }
0xaf: {  	[dreg:$0x3] =	wrdreg s2  }
0xb0: {  	[dreg:$0x4] =	wrdreg $0x9  }
0xb1: {  	_ =	task.clear_ibuf [dreg:s7], $0x5FFFF;
	_ =	strace $0x90000046  }
0xb2: {  	s29 =	simm.s32 $0x9;
	_ =	strace $0x80000048  }
0xb3: {  	_ =	swait.ge [sflag:s29], $0x1  }
0xb4: {  	[sflag:s29] =	ssyncadd.s32 $0xFFFFFFFF  }
0xb5: {  	_ =	strace $0x90000048  }
0xb6: {  	_ =	sfence  }
0xb7: {  	s30 =	sld [smem:$0x0];
	_ =	sdelay $0x2  }
0xb8: {  	s31 =	sshll.u32 s1, $0xD;
	s1 =	sshrl.u32 s1, $0x2  }
0xb9: {  	s3 =	sand.u32 $0x4000, s31;
	s1 =	sadd.s32 s1, s30  }
0xba: {  	s0 =	sor.u32 s3, s0;
	s1 =	sshll.u32 s1, $0x11  }
0xbb: {  	s0 =	sor.u32 s1, s0  }
0xbc: {  	s0 =	sadd.s32 $0x8F2B, s0  }
0xbd: {  	[sflag:s0] =	ssyncadd.remote.s32 $0x1  }
0xbe: {  	_ =	sfence.sel $0xFFFF  }
0xbf: {  	[dreg:$0x0] =	wrdreg $0xFFFFFFFF;
	(pc) =	sbr.abs _section_cstart, $3  }
0xc0: {  	[dreg:$0x1] =	wrdreg $0xFFFFFFFF  }
0xc1: {  	_ =	task.clear_ibuf [dreg:s7], $0x2FFFF;
	_ =	strace $0x9FFFFFFF  }
0xc2: {  	(tm) =	ssettm $0x7FFFFFFF  }
0xc3: {  	_ =	shalt  }
tec
execute0_lowered:
.L_overlay_start_1:
0x0: {  	(tag) =	ssettag $0x1  }
0x1: {  	s1 =	rddreg [dreg:$0x0];
	s3 =	srdreg.scid  }
0x2: {  	s0 =	stileid.u32;
	s2 =	rddreg [dreg:$0x1]  }
0x3: {  	s9 =	simm.s32 $0x80;
	s10 =	simm.s32 $0x3400;
	s11 =	simm.s32 $0x6800  }
0x4: {  	s12 =	simm.s32 $0x400;
	s13 =	simm.s32 $0x20000;
	s14 =	simm.s32 $0x3  }
0x5: {  	s15 =	simm.s32 $0x4;
	s4 =	sand.u32 $0x1, s3;
	s5 =	sshll.u32 s0, $0x1  }
0x6: {  	s16 =	simm.s32 $0x0;
	s3 =	simm.s32 $0x0;
	s6 =	sor.u32 s4, s5  }
0x7: {  	[smem:$0x7FF] =	sst s3;
	s7 =	ssub.s32 $0x2, s4;
	s5 =	smul.u32 $0x680, s6  }
0x8: {  	s4 =	sadd.s32 $0xF42A00, s1;
	_ =	strace $0x80000047;
	s8 =	sshrl.u32 s7, $0x1  }
0x9: {  	v0 =	vlaneseq.u32;
	s6 =	smul.u32 $0x68, s6;
	s31 =	ssub.s32 s7, s8;
	s5 =	sadd.s32 s5, s1  }
0xa: {  	v0 =	vmul.u32 $0x80, v0;
	s8 =	simm.s32 $0x5;
	s7 =	smax.u32 s31, $0x1;
	s5 =	sadd.s32 $0x600, s5  }
.LBB2_1:
0xb: {  	[tilespmem:s3], [sflag:$0x5] =	stream.linear.gather [hbm4b:s5+s3], $0x3400, $0x38;
	[tilespmem:$0x10800] =	vst v63  }
0xc: {  	_ =	swait.ge [sflag:s8], $0x3400  }
0xd: {  	[sflag:s8] =	ssyncset.done $0x0  }
0xe: {  	s1 =	simm.s32 $0x0;
	[sflag:s8] =	ssyncadd.s32 $0xFFFFCC00  }
0xf: {  	s17 =	simm.s32 $0x40;
	v1 =	vld [tilespmem:s1+$0x0]  }
.LBB2_2:
0x10: {  	p0 =	sne.s32 s17, $0xCFC0  }
.Ltmp0:
0x11: {  	_ = 	snop;
	(pc) =	sbr.rel @p0 .LBB2_2-.Ltmp0, $3  }
0x12: {  	_ =	sdelay $0x1  }
0x13: {  	s18 =	sshra.s32 s17, $0x2;
	s17 =	sadd.s32 $0x40, s17;
	v2 =	vshrl.u32 v1, $0x2  }
0x14: {  	v1 =	vld [tilespmem:s18+$0x0];
	[tilespmem:s1+$0x3400] =	vst v2;
	s1 =	smov.u32 s18  }
0x15: {  	_ =	sdelay $0x3  }
0x16: {  	v1 =	vshrl.u32 v1, $0x2  }
0x17: {  	s19 =	simm.s32 $0x0;
	p0 =	por $0x0, $0x0;
	s17 =	simm.s32 $0x0;
	[tilespmem:s1+$0x3400] =	vst v1  }
0x18: {  	[tilespmem:s11], [sflag:$0x1] =	stream.indirect.gather [hbm4b:s4+s9], $0x80, s10, s9, $0xb8;
	[tilespmem:$0x10800] =	vst v63  }
.LBB2_4:
0x19: {  	s18 =	sadd.s32 $0x1, s19;
	p1 =	seq.s32 s19, $0x67;
	s25 =	sand.u32 $0x1, s19  }
0x1a: {  	s1 =	sand.u32 @!p1 $0x1, s18;
	s21 =	sshll.u32 @!p1 s18, $0x7;
	s22 =	simm.s32 @!p1 $0x80  }
0x1b: {  	p2 =	slt.u32 @!p1 s19, $0x2;
	s20 =	sshll.u32 @!p1 s1, $0xE;
	s21 =	sand.u32 @!p1 $0x3FFFFF80, s21  }
0x1c: {  	s1 =	sadd.s32 @!p1 $0x1, s1;
	s20 =	sadd.s32 @!p1 $0x6800, s20;
	s21 =	sadd.s32 @!p1 $0x3400, s21  }
0x1d: {  	[tilespmem:s20], [sflag:s1] =	stream.indirect.gather @!p1 [hbm4b:s4+s22], $0x80, s21, s22, $0xb8;
	[tilespmem:$0x10800] =	vst v63  }
0x1e: {  	p1 =	por p1, !p2;
	s20 =	sadd.s32 $0x3, s25  }
0x1f: {  	_ =	swait.ge @p1 [sflag:s20], $0x1000  }
0x20: {  	[sflag:s20] =	ssyncset.done @p1 $0x0  }
0x21: {  	s21 =	sadd.s32 $0x1, s25;
	[sflag:s20] =	ssyncadd.s32 @p1 $0xFFFFF000  }
0x22: {  	_ =	swait.ge [sflag:s21], $0x4000  }
0x23: {  	[sflag:s21] =	ssyncset.done $0x0  }
0x24: {  	[sflag:s21] =	ssyncadd.s32 $0xFFFFC000  }
0x25: {  	v1 =	vld [tilespmem:s17+$0x0];
	_ =	sdelay $0x1  }
0x26: {  	s28 =	sshll.u32 s25, $0x7;
	s22 =	simm.s32 $0x0  }
0x27: {  	s1 =	sor.u32 s28, s22  }
0x28: {  	v2 =	vmov s1  }
0x29: {  	v2 =	vshll.u32 v2, $0x7;
	v1 =	vshll.u32 v1, $0x5  }
0x2a: {  	v2 =	vor.u32 v0, v2;
	v1 =	vand.u32 $0x60, v1  }
0x2b: {  	v1 =	vor.u32 v2, v1;
	_ =	sdelay $0x4  }
0x2c: {  	v2 =	vld.idx.msk [tilespmem:v1+s11+$0x0], $0xffff  }
0x2d: {  	s1 =	simm.s32 $0x1;
	v3 =	vor.u32 $0x1, v1  }
0x2e: {  	s1 =	simm.s32 @!p0 $0x0  }
0x2f: {  	s1 =	sshll.u32 s1, $0xC  }
0x30: {  	s21 =	sadd.s32 $0xF000, s1  }
0x31: {  	[tilespmem:s21+$0xFFFFF800] =	vst v2  }
0x32: {  	v2 =	vld.idx.msk [tilespmem:v3+s11+$0x0], $0xffff  }
0x33: {  	v3 =	vor.u32 $0x2, v1;
	_ =	sdelay $0x3  }
0x34: {  	[tilespmem:s21+$0xFFFFF880] =	vst v2  }
0x35: {  	v2 =	vld.idx.msk [tilespmem:v3+s11+$0x0], $0xffff  }
0x36: {  	v3 =	vor.u32 $0x3, v1;
	_ =	sdelay $0x3  }
0x37: {  	[tilespmem:s21+$0xFFFFF900] =	vst v2  }
0x38: {  	v2 =	vld.idx.msk [tilespmem:v3+s11+$0x0], $0xffff  }
0x39: {  	v3 =	vor.u32 $0x4, v1;
	_ =	sdelay $0x1  }
0x3a: {  	s23 =	sadd.s32 $0x10, s17  }
0x3b: {  	v4 =	vld [tilespmem:s23+$0x0]  }
0x3c: {  	[tilespmem:s21+$0xFFFFF980] =	vst v2  }
0x3d: {  	s24 =	simm.s32 $0x10;
	v2 =	vld.idx.msk [tilespmem:v3+s11+$0x0], $0xffff  }
0x3e: {  	s22 =	sor.u32 s28, s24;
	v3 =	vor.u32 $0x5, v1  }
0x3f: {  	v5 =	vmov s22  }
0x40: {  	v5 =	vshll.u32 v5, $0x7;
	v4 =	vshll.u32 v4, $0x5  }
0x41: {  	v5 =	vor.u32 v0, v5;
	v4 =	vand.u32 $0x60, v4  }
0x42: {  	[tilespmem:s21+$0xFFFFFA00] =	vst v2;
	v2 =	vor.u32 v5, v4  }
0x43: {  	v3 =	vld.idx.msk [tilespmem:v3+s11+$0x0], $0xffff  }
0x44: {  	v4 =	vor.u32 $0x6, v1;
	_ =	sdelay $0x2  }
0x45: {  	v5 =	vld.idx.msk [tilespmem:v2+s11+$0x0], $0xffff  }
0x46: {  	[tilespmem:s21+$0xFFFFFA80] =	vst v3;
	v3 =	vor.u32 $0x1, v2  }
0x47: {  	v4 =	vld.idx.msk [tilespmem:v4+s11+$0x0], $0xffff  }
0x48: {  	v6 =	vor.u32 $0x7, v1  }
0x49: {  	s22 =	sadd.s32 $0x10, s21  }
0x4a: {  	[tilespmem:s22+$0xFFFFF800] =	vst v5  }
0x4b: {  	v3 =	vld.idx.msk [tilespmem:v3+s11+$0x0], $0xffff  }
0x4c: {  	[tilespmem:s21+$0xFFFFFB00] =	vst v4;
	v4 =	vor.u32 $0x2, v2  }
0x4d: {  	v5 =	vld.idx.msk [tilespmem:v6+s11+$0x0], $0xffff  }
0x4e: {  	v6 =	vor.u32 $0x8, v1;
	_ =	sdelay $0x1  }
0x4f: {  	[tilespmem:s22+$0xFFFFF880] =	vst v3  }
0x50: {  	v3 =	vld.idx.msk [tilespmem:v4+s11+$0x0], $0xffff  }
0x51: {  	v4 =	vor.u32 $0x3, v2;
	[tilespmem:s21+$0xFFFFFB80] =	vst v5  }
0x52: {  	v5 =	vld.idx.msk [tilespmem:v6+s11+$0x0], $0xffff  }
0x53: {  	v6 =	vor.u32 $0x9, v1;
	_ =	sdelay $0x1  }
0x54: {  	[tilespmem:s22+$0xFFFFF900] =	vst v3  }
0x55: {  	v3 =	vld.idx.msk [tilespmem:v4+s11+$0x0], $0xffff  }
0x56: {  	v4 =	vor.u32 $0x4, v2;
	[tilespmem:s21+$0xFFFFFC00] =	vst v5  }
0x57: {  	v5 =	vld.idx.msk [tilespmem:v6+s11+$0x0], $0xffff  }
0x58: {  	s1 =	sadd.s32 $0x10, s23;
	v6 =	vor.u32 $0xA, v1  }
0x59: {  	v7 =	vld [tilespmem:s1+$0x0]  }
0x5a: {  	[tilespmem:s22+$0xFFFFF980] =	vst v3  }
0x5b: {  	s23 =	simm.s32 $0x20;
	v3 =	vld.idx.msk [tilespmem:v4+s11+$0x0], $0xffff  }
0x5c: {  	s23 =	sor.u32 s28, s23;
	v4 =	vor.u32 $0x5, v2;
	[tilespmem:s21+$0xFFFFFC80] =	vst v5  }
0x5d: {  	v5 =	vld.idx.msk [tilespmem:v6+s11+$0x0], $0xffff;
	v6 =	vmov s23  }
0x5e: {  	v7 =	vshll.u32 v7, $0x5;
	v8 =	vor.u32 $0xB, v1;
	v6 =	vshll.u32 v6, $0x7  }
0x5f: {  	v7 =	vand.u32 $0x60, v7;
	v6 =	vor.u32 v0, v6  }
0x60: {  	[tilespmem:s22+$0xFFFFFA00] =	vst v3;
	v3 =	vor.u32 v6, v7  }
0x61: {  	v4 =	vld.idx.msk [tilespmem:v4+s11+$0x0], $0xffff  }
0x62: {  	[tilespmem:s21+$0xFFFFFD00] =	vst v5;
	v5 =	vor.u32 $0x6, v2  }
0x63: {  	v6 =	vld.idx.msk [tilespmem:v8+s11+$0x0], $0xffff  }
0x64: {  	v7 =	vor.u32 $0xC, v1  }
0x65: {  	v8 =	vld.idx.msk [tilespmem:v3+s11+$0x0], $0xffff  }
0x66: {  	[tilespmem:s22+$0xFFFFFA80] =	vst v4;
	v4 =	vor.u32 $0x1, v3  }
0x67: {  	v5 =	vld.idx.msk [tilespmem:v5+s11+$0x0], $0xffff  }
0x68: {  	[tilespmem:s21+$0xFFFFFD80] =	vst v6;
	v6 =	vor.u32 $0x7, v2  }
0x69: {  	s23 =	sadd.s32 $0x10, s22;
	v7 =	vld.idx.msk [tilespmem:v7+s11+$0x0], $0xffff  }
0x6a: {  	[tilespmem:s23+$0xFFFFF800] =	vst v8;
	v8 =	vor.u32 $0xD, v1  }
0x6b: {  	v4 =	vld.idx.msk [tilespmem:v4+s11+$0x0], $0xffff  }
0x6c: {  	[tilespmem:s22+$0xFFFFFB00] =	vst v5;
	v5 =	vor.u32 $0x2, v3  }
0x6d: {  	v6 =	vld.idx.msk [tilespmem:v6+s11+$0x0], $0xffff  }
0x6e: {  	[tilespmem:s21+$0xFFFFFE00] =	vst v7;
	v7 =	vor.u32 $0x8, v2  }
0x6f: {  	v8 =	vld.idx.msk [tilespmem:v8+s11+$0x0], $0xffff  }
0x70: {  	[tilespmem:s23+$0xFFFFF880] =	vst v4;
	v4 =	vor.u32 $0xE, v1  }
0x71: {  	v5 =	vld.idx.msk [tilespmem:v5+s11+$0x0], $0xffff  }
0x72: {  	[tilespmem:s22+$0xFFFFFB80] =	vst v6;
	v6 =	vor.u32 $0x3, v3  }
0x73: {  	v7 =	vld.idx.msk [tilespmem:v7+s11+$0x0], $0xffff  }
0x74: {  	[tilespmem:s21+$0xFFFFFE80] =	vst v8;
	v8 =	vor.u32 $0x9, v2  }
0x75: {  	v4 =	vld.idx.msk [tilespmem:v4+s11+$0x0], $0xffff  }
0x76: {  	[tilespmem:s23+$0xFFFFF900] =	vst v5;
	v5 =	vor.u32 $0xF, v1  }
0x77: {  	v6 =	vld.idx.msk [tilespmem:v6+s11+$0x0], $0xffff  }
0x78: {  	[tilespmem:s22+$0xFFFFFC00] =	vst v7;
	v7 =	vor.u32 $0x4, v3  }
0x79: {  	v8 =	vld.idx.msk [tilespmem:v8+s11+$0x0], $0xffff  }
0x7a: {  	[tilespmem:s21+$0xFFFFFF00] =	vst v4;
	v4 =	vor.u32 $0xA, v2  }
0x7b: {  	s1 =	sadd.s32 $0x10, s1;
	v5 =	vld.idx.msk [tilespmem:v5+s11+$0x0], $0xffff  }
0x7c: {  	v9 =	vld [tilespmem:s1+$0x0];
	[tilespmem:s23+$0xFFFFF980] =	vst v6;
	v6 =	vor.u32 $0x10, v1  }
0x7d: {  	v7 =	vld.idx.msk [tilespmem:v7+s11+$0x0], $0xffff  }
0x7e: {  	s24 =	simm.s32 $0x30;
	[tilespmem:s22+$0xFFFFFC80] =	vst v8;
	v8 =	vor.u32 $0x5, v3  }
0x7f: {  	s24 =	sor.u32 s28, s24;
	v10 =	vld.idx.msk [tilespmem:v4+s11+$0x0], $0xffff  }
0x80: {  	v4 =	vmov s24;
	[tilespmem:s21+$0xFFFFFF80] =	vst v5;
	v5 =	vor.u32 $0xB, v2  }
0x81: {  	v9 =	vshll.u32 v9, $0x5;
	v4 =	vshll.u32 v4, $0x7;
	v6 =	vld.idx.msk [tilespmem:v6+s11+$0x0], $0xffff  }
0x82: {  	v9 =	vand.u32 $0x60, v9;
	v4 =	vor.u32 v0, v4;
	[tilespmem:s23+$0xFFFFFA00] =	vst v7;
	v7 =	vor.u32 $0x11, v1  }
0x83: {  	v4 =	vor.u32 v4, v9;
	v8 =	vld.idx.msk [tilespmem:v8+s11+$0x0], $0xffff  }
0x84: {  	v9 =	vor.u32 $0x6, v3;
	[tilespmem:s22+$0xFFFFFD00] =	vst v10  }
0x85: {  	v5 =	vld.idx.msk [tilespmem:v5+s11+$0x0], $0xffff  }
0x86: {  	[tilespmem:s21+$0x0] =	vst v6;
	v6 =	vor.u32 $0xC, v2  }
0x87: {  	v7 =	vld.idx.msk [tilespmem:v7+s11+$0x0], $0xffff  }
0x88: {  	v10 =	vld.idx.msk [tilespmem:v4+s11+$0x0], $0xffff;
	[tilespmem:s23+$0xFFFFFA80] =	vst v8;
	v8 =	vor.u32 $0x12, v1  }
0x89: {  	v11 =	vor.u32 $0x1, v4;
	v9 =	vld.idx.msk [tilespmem:v9+s11+$0x0], $0xffff  }
0x8a: {  	[tilespmem:s22+$0xFFFFFD80] =	vst v5;
	v5 =	vor.u32 $0x7, v3  }
0x8b: {  	v6 =	vld.idx.msk [tilespmem:v6+s11+$0x0], $0xffff  }
0x8c: {  	s24 =	sadd.s32 $0x10, s23;
	[tilespmem:s21+$0x80] =	vst v7;
	v7 =	vor.u32 $0xD, v2  }
0x8d: {  	[tilespmem:s24+$0xFFFFF800] =	vst v10;
	v8 =	vld.idx.msk [tilespmem:v8+s11+$0x0], $0xffff  }
0x8e: {  	v10 =	vld.idx.msk [tilespmem:v11+s11+$0x0], $0xffff;
	[tilespmem:s23+$0xFFFFFB00] =	vst v9;
	v9 =	vor.u32 $0x13, v1  }
0x8f: {  	v11 =	vor.u32 $0x2, v4;
	v5 =	vld.idx.msk [tilespmem:v5+s11+$0x0], $0xffff  }
0x90: {  	[tilespmem:s22+$0xFFFFFE00] =	vst v6;
	v6 =	vor.u32 $0x8, v3  }
0x91: {  	v7 =	vld.idx.msk [tilespmem:v7+s11+$0x0], $0xffff  }
0x92: {  	[tilespmem:s21+$0x100] =	vst v8;
	v8 =	vor.u32 $0xE, v2  }
0x93: {  	[tilespmem:s24+$0xFFFFF880] =	vst v10;
	v9 =	vld.idx.msk [tilespmem:v9+s11+$0x0], $0xffff  }
0x94: {  	v10 =	vld.idx.msk [tilespmem:v11+s11+$0x0], $0xffff;
	[tilespmem:s23+$0xFFFFFB80] =	vst v5;
	v5 =	vor.u32 $0x14, v1  }
0x95: {  	v11 =	vor.u32 $0x3, v4;
	v6 =	vld.idx.msk [tilespmem:v6+s11+$0x0], $0xffff  }
0x96: {  	[tilespmem:s22+$0xFFFFFE80] =	vst v7;
	v7 =	vor.u32 $0x9, v3  }
0x97: {  	v8 =	vld.idx.msk [tilespmem:v8+s11+$0x0], $0xffff  }
0x98: {  	[tilespmem:s21+$0x180] =	vst v9;
	v9 =	vor.u32 $0xF, v2  }
0x99: {  	[tilespmem:s24+$0xFFFFF900] =	vst v10;
	v5 =	vld.idx.msk [tilespmem:v5+s11+$0x0], $0xffff  }
0x9a: {  	v10 =	vld.idx.msk [tilespmem:v11+s11+$0x0], $0xffff;
	[tilespmem:s23+$0xFFFFFC00] =	vst v6;
	v6 =	vor.u32 $0x15, v1  }
0x9b: {  	v11 =	vor.u32 $0x4, v4;
	v7 =	vld.idx.msk [tilespmem:v7+s11+$0x0], $0xffff  }
0x9c: {  	[tilespmem:s22+$0xFFFFFF00] =	vst v8;
	v8 =	vor.u32 $0xA, v3  }
0x9d: {  	s1 =	sadd.s32 $0x10, s1;
	v9 =	vld.idx.msk [tilespmem:v9+s11+$0x0], $0xffff  }
0x9e: {  	v12 =	vld [tilespmem:s1+$0x0];
	[tilespmem:s21+$0x200] =	vst v5;
	v5 =	vor.u32 $0x10, v2  }
0x9f: {  	[tilespmem:s24+$0xFFFFF980] =	vst v10;
	v6 =	vld.idx.msk [tilespmem:v6+s11+$0x0], $0xffff  }
0xa0: {  	s26 =	simm.s32 $0x40;
	v10 =	vld.idx.msk [tilespmem:v11+s11+$0x0], $0xffff;
	[tilespmem:s23+$0xFFFFFC80] =	vst v7;
	v7 =	vor.u32 $0x16, v1  }
0xa1: {  	s26 =	sor.u32 s28, s26;
	v11 =	vor.u32 $0x5, v4;
	v8 =	vld.idx.msk [tilespmem:v8+s11+$0x0], $0xffff  }
0xa2: {  	v13 =	vor.u32 $0xB, v3;
	[tilespmem:s22+$0xFFFFFF80] =	vst v9;
	v9 =	vmov s26  }
0xa3: {  	v14 =	vld.idx.msk [tilespmem:v5+s11+$0x0], $0xffff;
	v5 =	vshll.u32 v9, $0x7;
	v9 =	vshll.u32 v12, $0x5  }
0xa4: {  	[tilespmem:s21+$0x280] =	vst v6;
	v6 =	vand.u32 $0x60, v9;
	v5 =	vor.u32 v0, v5;
	v9 =	vor.u32 $0x11, v2  }
0xa5: {  	[tilespmem:s24+$0xFFFFFA00] =	vst v10;
	v7 =	vld.idx.msk [tilespmem:v7+s11+$0x0], $0xffff;
	v5 =	vor.u32 v5, v6  }
0xa6: {  	v6 =	vld.idx.msk [tilespmem:v11+s11+$0x0], $0xffff;
	[tilespmem:s23+$0xFFFFFD00] =	vst v8;
	v8 =	vor.u32 $0x17, v1  }
0xa7: {  	v10 =	vor.u32 $0x6, v4;
	v11 =	vld.idx.msk [tilespmem:v13+s11+$0x0], $0xffff  }
0xa8: {  	v12 =	vor.u32 $0xC, v3;
	[tilespmem:s22+$0x0] =	vst v14  }
0xa9: {  	v9 =	vld.idx.msk [tilespmem:v9+s11+$0x0], $0xffff  }
0xaa: {  	v13 =	vld.idx.msk [tilespmem:v5+s11+$0x0], $0xffff;
	[tilespmem:s21+$0x300] =	vst v7;
	v7 =	vor.u32 $0x12, v2  }
0xab: {  	[tilespmem:s24+$0xFFFFFA80] =	vst v6;
	v6 =	vld.idx.msk [tilespmem:v8+s11+$0x0], $0xffff;
	v8 =	vor.u32 $0x1, v5  }
0xac: {  	v10 =	vld.idx.msk [tilespmem:v10+s11+$0x0], $0xffff;
	[tilespmem:s23+$0xFFFFFD80] =	vst v11;
	v11 =	vor.u32 $0x18, v1  }
0xad: {  	v12 =	vld.idx.msk [tilespmem:v12+s11+$0x0], $0xffff  }
0xae: {  	s29 =	sadd.s32 $0x10, s24;
	v14 =	vor.u32 $0x7, v4;
	[tilespmem:s22+$0x80] =	vst v9  }
0xaf: {  	v9 =	vor.u32 $0xD, v3;
	[tilespmem:s29+$0xFFFFF800] =	vst v13;
	v7 =	vld.idx.msk [tilespmem:v7+s11+$0x0], $0xffff  }
0xb0: {  	v8 =	vld.idx.msk [tilespmem:v8+s11+$0x0], $0xffff;
	[tilespmem:s21+$0x380] =	vst v6;
	v6 =	vor.u32 $0x13, v2  }
0xb1: {  	[tilespmem:s24+$0xFFFFFB00] =	vst v10;
	v10 =	vld.idx.msk [tilespmem:v11+s11+$0x0], $0xffff;
	v11 =	vor.u32 $0x2, v5  }
0xb2: {  	[tilespmem:s23+$0xFFFFFE00] =	vst v12;
	v12 =	vor.u32 $0x19, v1  }
0xb3: {  	v13 =	vld.idx.msk [tilespmem:v14+s11+$0x0], $0xffff  }
0xb4: {  	v14 =	vor.u32 $0x8, v4;
	v9 =	vld.idx.msk [tilespmem:v9+s11+$0x0], $0xffff;
	[tilespmem:s22+$0x100] =	vst v7  }
0xb5: {  	v7 =	vor.u32 $0xE, v3;
	[tilespmem:s29+$0xFFFFF880] =	vst v8;
	v6 =	vld.idx.msk [tilespmem:v6+s11+$0x0], $0xffff  }
0xb6: {  	v8 =	vld.idx.msk [tilespmem:v11+s11+$0x0], $0xffff;
	[tilespmem:s21+$0x400] =	vst v10;
	v10 =	vor.u32 $0x14, v2  }
0xb7: {  	v11 =	vld.idx.msk [tilespmem:v12+s11+$0x0], $0xffff;
	v12 =	vor.u32 $0x3, v5  }
0xb8: {  	[tilespmem:s24+$0xFFFFFB80] =	vst v13  }
0xb9: {  	v13 =	vld.idx.msk [tilespmem:v14+s11+$0x0], $0xffff;
	[tilespmem:s23+$0xFFFFFE80] =	vst v9  }
0xba: {  	v9 =	vor.u32 $0x1A, v1;
	v7 =	vld.idx.msk [tilespmem:v7+s11+$0x0], $0xffff;
	[tilespmem:s22+$0x180] =	vst v6  }
0xbb: {  	v14 =	vor.u32 $0x9, v4;
	[tilespmem:s29+$0xFFFFF900] =	vst v8;
	v8 =	vld.idx.msk [tilespmem:v10+s11+$0x0], $0xffff  }
0xbc: {  	v10 =	vld.idx.msk [tilespmem:v12+s11+$0x0], $0xffff;
	v12 =	vor.u32 $0x15, v2  }
0xbd: {  	v6 =	vor.u32 $0xF, v3;
	[tilespmem:s21+$0x480] =	vst v11  }
0xbe: {  	[tilespmem:s24+$0xFFFFFC00] =	vst v13  }
0xbf: {  	v13 =	vor.u32 $0x4, v5;
	v15 =	vld.idx.msk [tilespmem:v9+s11+$0x0], $0xffff;
	[tilespmem:s23+$0xFFFFFF00] =	vst v7  }
0xc0: {  	v11 =	vld.idx.msk [tilespmem:v14+s11+$0x0], $0xffff;
	v7 =	vor.u32 $0x1B, v1;
	[tilespmem:s22+$0x200] =	vst v8  }
0xc1: {  	v8 =	vld.idx.msk [tilespmem:v12+s11+$0x0], $0xffff;
	v12 =	vor.u32 $0xA, v4  }
0xc2: {  	s30 =	sadd.s32 $0x10, s1;
	v9 =	vld.idx.msk [tilespmem:v6+s11+$0x0], $0xffff  }
0xc3: {  	s31 =	simm.s32 $0x50;
	s26 =	sshll.u32 s25, $0xC;
	v6 =	vld [tilespmem:s30+$0x0];
	[tilespmem:s29+$0xFFFFF980] =	vst v10;
	v10 =	vor.u32 $0x10, v3  }
0xc4: {  	s1 =	simm.s32 $0x60;
	s25 =	sor.u32 $0xE800, s26;
	s26 =	smov.u32 s29;
	v13 =	vld.idx.msk [tilespmem:v13+s11+$0x0], $0xffff;
	[tilespmem:s21+$0x500] =	vst v15  }
.LBB2_5:
0xc5: {  	p1 =	sne.s32 s1, $0x70;
	[tilespmem:s24+$0xFFFFFC80] =	vst v11;
	v11 =	vor.u32 $0x16, v2;
	v7 =	vld.idx.msk [tilespmem:v7+s11+$0x0], $0xffff  }
0xc6: {  	v14 =	vor.u32 $0x5, v5;
	v12 =	vld.idx.msk [tilespmem:v12+s11+$0x0], $0xffff  }
0xc7: {  	s0 =	sor.u32 s28, s31;
	s31 =	smov.u32 s1;
	[tilespmem:s23+$0xFFFFFF80] =	vst v9;
	v9 =	vor.u32 $0x1C, v1  }
0xc8: {  	v16 =	vor.u32 $0xB, v4;
	v15 =	vmov s0;
	v10 =	vld.idx.msk [tilespmem:v10+s11+$0x0], $0xffff  }
0xc9: {  	v15 =	vshll.u32 v15, $0x7;
	v6 =	vshll.u32 v6, $0x5;
	[tilespmem:s22+$0x280] =	vst v8  }
0xca: {  	v6 =	vand.u32 $0x60, v6;
	v8 =	vor.u32 v0, v15;
	[tilespmem:s29+$0xFFFFFA00] =	vst v13;
	v13 =	vor.u32 $0x11, v3;
	v11 =	vld.idx.msk [tilespmem:v11+s11+$0x0], $0xffff  }
0xcb: {  	v6 =	vor.u32 v8, v6;
	v8 =	vld.idx.msk [tilespmem:v14+s11+$0x0], $0xffff;
	[tilespmem:s21+$0x580] =	vst v7  }
0xcc: {  	v7 =	vor.u32 $0x17, v2;
	[tilespmem:s24+$0xFFFFFD00] =	vst v12;
	v9 =	vld.idx.msk [tilespmem:v9+s11+$0x0], $0xffff  }
0xcd: {  	v12 =	vor.u32 $0x6, v5;
	v14 =	vld.idx.msk [tilespmem:v16+s11+$0x0], $0xffff  }
0xce: {  	[tilespmem:s23+$0x0] =	vst v10;
	v10 =	vor.u32 $0x1D, v1  }
0xcf: {  	v15 =	vor.u32 $0xC, v4;
	v13 =	vld.idx.msk [tilespmem:v13+s11+$0x0], $0xffff  }
0xd0: {  	v16 =	vld.idx.msk [tilespmem:v6+s11+$0x0], $0xffff;
	[tilespmem:s22+$0x300] =	vst v11  }
0xd1: {  	[tilespmem:s29+$0xFFFFFA80] =	vst v8;
	v8 =	vor.u32 $0x12, v3;
	v7 =	vld.idx.msk [tilespmem:v7+s11+$0x0], $0xffff  }
0xd2: {  	v11 =	vor.u32 $0x1, v6;
	v12 =	vld.idx.msk [tilespmem:v12+s11+$0x0], $0xffff;
	[tilespmem:s21+$0x600] =	vst v9  }
0xd3: {  	v9 =	vor.u32 $0x18, v2;
	[tilespmem:s24+$0xFFFFFD80] =	vst v14;
	v10 =	vld.idx.msk [tilespmem:v10+s11+$0x0], $0xffff  }
0xd4: {  	v14 =	vor.u32 $0x7, v5;
	v15 =	vld.idx.msk [tilespmem:v15+s11+$0x0], $0xffff  }
0xd5: {  	s29 =	sadd.s32 $0x10, s29;
	[tilespmem:s23+$0x80] =	vst v13;
	v13 =	vor.u32 $0x1E, v1  }
0xd6: {  	[tilespmem:s29+$0xFFFFF800] =	vst v16;
	v16 =	vor.u32 $0xD, v4;
	v8 =	vld.idx.msk [tilespmem:v8+s11+$0x0], $0xffff  }
0xd7: {  	v11 =	vld.idx.msk [tilespmem:v11+s11+$0x0], $0xffff;
	[tilespmem:s22+$0x380] =	vst v7  }
0xd8: {  	v7 =	vor.u32 $0x13, v3;
	[tilespmem:s26+$0xFFFFFB00] =	vst v12;
	v9 =	vld.idx.msk [tilespmem:v9+s11+$0x0], $0xffff  }
0xd9: {  	v12 =	vor.u32 $0x2, v6;
	v14 =	vld.idx.msk [tilespmem:v14+s11+$0x0], $0xffff;
	[tilespmem:s21+$0x680] =	vst v10  }
0xda: {  	v10 =	vor.u32 $0x19, v2;
	[tilespmem:s24+$0xFFFFFE00] =	vst v15;
	v13 =	vld.idx.msk [tilespmem:v13+s11+$0x0], $0xffff  }
0xdb: {  	v15 =	vor.u32 $0x8, v5;
	v16 =	vld.idx.msk [tilespmem:v16+s11+$0x0], $0xffff  }
0xdc: {  	[tilespmem:s23+$0x100] =	vst v8;
	v8 =	vor.u32 $0x1F, v1;
	v1 =	vmovc v2;
	v2 =	vmovc v3;
	v3 =	vmov v4;
	v4 =	vmov v5  }
0xdd: {  	v5 =	vmov v6;
	[tilespmem:s29+$0xFFFFF880] =	vst v11;
	v11 =	vor.u32 $0xE, v3;
	v7 =	vld.idx.msk [tilespmem:v7+s11+$0x0], $0xffff  }
0xde: {  	v6 =	vld.idx.msk [tilespmem:v12+s11+$0x0], $0xffff;
	[tilespmem:s22+$0x400] =	vst v9  }
0xdf: {  	v9 =	vor.u32 $0x14, v2;
	[tilespmem:s26+$0xFFFFFB80] =	vst v14;
	v10 =	vld.idx.msk [tilespmem:v10+s11+$0x0], $0xffff  }
0xe0: {  	v12 =	vor.u32 $0x3, v5;
	v14 =	vld.idx.msk [tilespmem:v15+s11+$0x0], $0xffff;
	[tilespmem:s21+$0x700] =	vst v13  }
0xe1: {  	v13 =	vor.u32 $0x1A, v1;
	[tilespmem:s24+$0xFFFFFE80] =	vst v16;
	v8 =	vld.idx.msk [tilespmem:v8+s11+$0x0], $0xffff  }
0xe2: {  	v15 =	vor.u32 $0x9, v4;
	v16 =	vld.idx.msk [tilespmem:v11+s11+$0x0], $0xffff  }
0xe3: {  	[tilespmem:s23+$0x180] =	vst v7  }
0xe4: {  	[tilespmem:s29+$0xFFFFF900] =	vst v6;
	v6 =	vor.u32 $0xF, v3;
	v17 =	vld.idx.msk [tilespmem:v9+s11+$0x0], $0xffff  }
0xe5: {  	v18 =	vld.idx.msk [tilespmem:v12+s11+$0x0], $0xffff;
	[tilespmem:s22+$0x480] =	vst v10  }
0xe6: {  	[tilespmem:s26+$0xFFFFFC00] =	vst v14;
	v14 =	vor.u32 $0x15, v2;
	v19 =	vld.idx.msk [tilespmem:v13+s11+$0x0], $0xffff  }
0xe7: {  	v13 =	vor.u32 $0x4, v5;
	v11 =	vld.idx.msk [tilespmem:v15+s11+$0x0], $0xffff;
	[tilespmem:s21+$0x780] =	vst v8;
	s21 =	smov.u32 s22;
	s22 =	smov.u32 s23;
	s23 =	smov.u32 s24  }
.Ltmp1:
0xe8: {  	v7 =	vor.u32 $0x1B, v1;
	s24 =	smov.u32 s26;
	s26 =	smov.u32 s29;
	[tilespmem:s23+$0xFFFFFF00] =	vst v16;
	(pc) =	sbr.rel @p1 .LBB2_5-.Ltmp1, $4  }
0xe9: {  	s30 =	sadd.s32 $0x10, s30;
	v12 =	vor.u32 $0xA, v4;
	v9 =	vld.idx.msk [tilespmem:v6+s11+$0x0], $0xffff  }
0xea: {  	v6 =	vld [tilespmem:s30+$0x0];
	[tilespmem:s22+$0x200] =	vst v17  }
0xeb: {  	v10 =	vor.u32 $0x10, v3;
	[tilespmem:s29+$0xFFFFF980] =	vst v18;
	v8 =	vld.idx.msk [tilespmem:v14+s11+$0x0], $0xffff  }
0xec: {  	s1 =	sadd.s32 $0x10, s1;
	v13 =	vld.idx.msk [tilespmem:v13+s11+$0x0], $0xffff;
	[tilespmem:s21+$0x500] =	vst v19  }
0xed: {  	s0 =	sor.u32 s28, s31  }
0xee: {  	v14 =	vmov s0  }
0xef: {  	v14 =	vshll.u32 v14, $0x7;
	v6 =	vshll.u32 v6, $0x5  }
0xf0: {  	v6 =	vand.u32 $0x60, v6;
	v14 =	vor.u32 v0, v14  }
0xf1: {  	v6 =	vor.u32 v14, v6;
	_ =	sdelay $0x4  }
0xf2: {  	v14 =	vld.idx.msk [tilespmem:v6+s11+$0x0], $0xffff  }
0xf3: {  	v15 =	vor.u32 $0x1, v6;
	_ =	sdelay $0x2  }
0xf4: {  	s30 =	sadd.s32 $0x10, s29  }
0xf5: {  	[tilespmem:s30+$0xFFFFF800] =	vst v14  }
0xf6: {  	v14 =	vld.idx.msk [tilespmem:v15+s11+$0x0], $0xffff  }
0xf7: {  	v48 =	vor.u32 $0x2, v6;
	_ =	sdelay $0x3  }
0xf8: {  	[tilespmem:s30+$0xFFFFF880] =	vst v14  }
0xf9: {  	v14 =	vld.idx.msk [tilespmem:v48+s11+$0x0], $0xffff  }
0xfa: {  	v49 =	vor.u32 $0x3, v6;
	_ =	sdelay $0x3  }
0xfb: {  	[tilespmem:s30+$0xFFFFF900] =	vst v14  }
0xfc: {  	v14 =	vld.idx.msk [tilespmem:v49+s11+$0x0], $0xffff  }
0xfd: {  	v50 =	vor.u32 $0x4, v6;
	_ =	sdelay $0x3  }
0xfe: {  	[tilespmem:s30+$0xFFFFF980] =	vst v14  }
0xff: {  	v51 =	vor.u32 $0x5, v5;
	v15 =	vld.idx.msk [tilespmem:v50+s11+$0x0], $0xffff  }
0x100: {  	v16 =	vor.u32 $0x5, v6;
	_ =	sdelay $0x2  }
0x101: {  	[tilespmem:s29+$0xFFFFFA00] =	vst v13  }
0x102: {  	v13 =	vld.idx.msk [tilespmem:v51+s11+$0x0], $0xffff;
	[tilespmem:s30+$0xFFFFFA00] =	vst v15  }
0x103: {  	v52 =	vor.u32 $0x6, v5;
	v15 =	vld.idx.msk [tilespmem:v16+s11+$0x0], $0xffff  }
0x104: {  	v53 =	vor.u32 $0x6, v6;
	_ =	sdelay $0x2  }
0x105: {  	[tilespmem:s29+$0xFFFFFA80] =	vst v13  }
0x106: {  	v13 =	vld.idx.msk [tilespmem:v52+s11+$0x0], $0xffff;
	[tilespmem:s30+$0xFFFFFA80] =	vst v15  }
0x107: {  	v54 =	vor.u32 $0x7, v5;
	v15 =	vld.idx.msk [tilespmem:v53+s11+$0x0], $0xffff  }
0x108: {  	v55 =	vor.u32 $0x7, v6;
	_ =	sdelay $0x2  }
0x109: {  	[tilespmem:s26+$0xFFFFFB00] =	vst v13  }
0x10a: {  	v13 =	vld.idx.msk [tilespmem:v54+s11+$0x0], $0xffff;
	[tilespmem:s30+$0xFFFFFB00] =	vst v15  }
0x10b: {  	v56 =	vor.u32 $0x8, v5;
	v15 =	vld.idx.msk [tilespmem:v55+s11+$0x0], $0xffff  }
0x10c: {  	v57 =	vor.u32 $0x8, v6;
	_ =	sdelay $0x2  }
0x10d: {  	[tilespmem:s26+$0xFFFFFB80] =	vst v13  }
0x10e: {  	v13 =	vld.idx.msk [tilespmem:v56+s11+$0x0], $0xffff;
	[tilespmem:s30+$0xFFFFFB80] =	vst v15  }
0x10f: {  	v58 =	vor.u32 $0x9, v5;
	v15 =	vld.idx.msk [tilespmem:v57+s11+$0x0], $0xffff  }
0x110: {  	v59 =	vor.u32 $0x9, v6;
	_ =	sdelay $0x2  }
0x111: {  	[tilespmem:s26+$0xFFFFFC00] =	vst v13  }
0x112: {  	v13 =	vld.idx.msk [tilespmem:v58+s11+$0x0], $0xffff;
	[tilespmem:s30+$0xFFFFFC00] =	vst v15  }
0x113: {  	v60 =	vor.u32 $0xA, v5;
	v15 =	vld.idx.msk [tilespmem:v59+s11+$0x0], $0xffff  }
0x114: {  	v61 =	vor.u32 $0xA, v6;
	_ =	sdelay $0x1  }
0x115: {  	[tilespmem:s24+$0xFFFFFC80] =	vst v11  }
0x116: {  	v11 =	vld.idx.msk [tilespmem:v12+s11+$0x0], $0xffff;
	[tilespmem:s26+$0xFFFFFC80] =	vst v13  }
0x117: {  	v62 =	vor.u32 $0xB, v4;
	v13 =	vld.idx.msk [tilespmem:v60+s11+$0x0], $0xffff;
	[tilespmem:s30+$0xFFFFFC80] =	vst v15  }
0x118: {  	v63 =	vor.u32 $0xB, v5;
	v15 =	vld.idx.msk [tilespmem:v61+s11+$0x0], $0xffff  }
0x119: {  	v20 =	vor.u32 $0xB, v6;
	_ =	sdelay $0x1  }
0x11a: {  	[tilespmem:s24+$0xFFFFFD00] =	vst v11  }
0x11b: {  	v11 =	vld.idx.msk [tilespmem:v62+s11+$0x0], $0xffff;
	[tilespmem:s26+$0xFFFFFD00] =	vst v13  }
0x11c: {  	v21 =	vor.u32 $0xC, v4;
	v13 =	vld.idx.msk [tilespmem:v63+s11+$0x0], $0xffff;
	[tilespmem:s30+$0xFFFFFD00] =	vst v15  }
0x11d: {  	v22 =	vor.u32 $0xC, v5;
	v15 =	vld.idx.msk [tilespmem:v20+s11+$0x0], $0xffff  }
0x11e: {  	v23 =	vor.u32 $0xC, v6;
	_ =	sdelay $0x1  }
0x11f: {  	[tilespmem:s24+$0xFFFFFD80] =	vst v11  }
0x120: {  	v11 =	vld.idx.msk [tilespmem:v21+s11+$0x0], $0xffff;
	[tilespmem:s26+$0xFFFFFD80] =	vst v13  }
0x121: {  	v24 =	vor.u32 $0xD, v4;
	v13 =	vld.idx.msk [tilespmem:v22+s11+$0x0], $0xffff;
	[tilespmem:s30+$0xFFFFFD80] =	vst v15  }
0x122: {  	v25 =	vor.u32 $0xD, v5;
	v15 =	vld.idx.msk [tilespmem:v23+s11+$0x0], $0xffff  }
0x123: {  	v26 =	vor.u32 $0xD, v6;
	_ =	sdelay $0x1  }
0x124: {  	[tilespmem:s24+$0xFFFFFE00] =	vst v11  }
0x125: {  	v11 =	vld.idx.msk [tilespmem:v24+s11+$0x0], $0xffff;
	[tilespmem:s26+$0xFFFFFE00] =	vst v13  }
0x126: {  	v27 =	vor.u32 $0xE, v4;
	v13 =	vld.idx.msk [tilespmem:v25+s11+$0x0], $0xffff;
	[tilespmem:s30+$0xFFFFFE00] =	vst v15  }
0x127: {  	v28 =	vor.u32 $0xE, v5;
	v15 =	vld.idx.msk [tilespmem:v26+s11+$0x0], $0xffff  }
0x128: {  	v29 =	vor.u32 $0xE, v6;
	_ =	sdelay $0x1  }
0x129: {  	[tilespmem:s24+$0xFFFFFE80] =	vst v11  }
0x12a: {  	v11 =	vld.idx.msk [tilespmem:v27+s11+$0x0], $0xffff;
	[tilespmem:s26+$0xFFFFFE80] =	vst v13  }
0x12b: {  	v30 =	vor.u32 $0xF, v4;
	v13 =	vld.idx.msk [tilespmem:v28+s11+$0x0], $0xffff;
	[tilespmem:s30+$0xFFFFFE80] =	vst v15  }
0x12c: {  	v31 =	vor.u32 $0xF, v5;
	v15 =	vld.idx.msk [tilespmem:v29+s11+$0x0], $0xffff  }
0x12d: {  	v32 =	vor.u32 $0xF, v6;
	_ =	sdelay $0x1  }
0x12e: {  	[tilespmem:s24+$0xFFFFFF00] =	vst v11  }
0x12f: {  	v11 =	vld.idx.msk [tilespmem:v30+s11+$0x0], $0xffff;
	[tilespmem:s26+$0xFFFFFF00] =	vst v13  }
0x130: {  	v33 =	vor.u32 $0x10, v4;
	v13 =	vld.idx.msk [tilespmem:v31+s11+$0x0], $0xffff;
	[tilespmem:s30+$0xFFFFFF00] =	vst v15  }
0x131: {  	v34 =	vor.u32 $0x10, v5;
	v15 =	vld.idx.msk [tilespmem:v32+s11+$0x0], $0xffff  }
0x132: {  	v35 =	vor.u32 $0x10, v6  }
0x133: {  	[tilespmem:s23+$0xFFFFFF80] =	vst v9  }
0x134: {  	v9 =	vld.idx.msk [tilespmem:v10+s11+$0x0], $0xffff;
	[tilespmem:s24+$0xFFFFFF80] =	vst v11  }
0x135: {  	v36 =	vor.u32 $0x11, v3;
	v11 =	vld.idx.msk [tilespmem:v33+s11+$0x0], $0xffff;
	[tilespmem:s26+$0xFFFFFF80] =	vst v13  }
0x136: {  	v37 =	vor.u32 $0x11, v4;
	v13 =	vld.idx.msk [tilespmem:v34+s11+$0x0], $0xffff;
	[tilespmem:s30+$0xFFFFFF80] =	vst v15  }
0x137: {  	v38 =	vor.u32 $0x11, v5;
	v15 =	vld.idx.msk [tilespmem:v35+s11+$0x0], $0xffff  }
0x138: {  	v39 =	vor.u32 $0x11, v6  }
0x139: {  	[tilespmem:s23+$0x0] =	vst v9  }
0x13a: {  	v9 =	vld.idx.msk [tilespmem:v36+s11+$0x0], $0xffff;
	[tilespmem:s24+$0x0] =	vst v11  }
0x13b: {  	v40 =	vor.u32 $0x12, v3;
	v11 =	vld.idx.msk [tilespmem:v37+s11+$0x0], $0xffff;
	[tilespmem:s26+$0x0] =	vst v13  }
0x13c: {  	v41 =	vor.u32 $0x12, v4;
	v13 =	vld.idx.msk [tilespmem:v38+s11+$0x0], $0xffff;
	[tilespmem:s30+$0x0] =	vst v15  }
0x13d: {  	v42 =	vor.u32 $0x12, v5;
	v15 =	vld.idx.msk [tilespmem:v39+s11+$0x0], $0xffff  }
0x13e: {  	v43 =	vor.u32 $0x12, v6  }
0x13f: {  	[tilespmem:s23+$0x80] =	vst v9  }
0x140: {  	v9 =	vld.idx.msk [tilespmem:v40+s11+$0x0], $0xffff;
	[tilespmem:s24+$0x80] =	vst v11  }
0x141: {  	v44 =	vor.u32 $0x13, v3;
	v11 =	vld.idx.msk [tilespmem:v41+s11+$0x0], $0xffff;
	[tilespmem:s26+$0x80] =	vst v13  }
0x142: {  	v45 =	vor.u32 $0x13, v4;
	v13 =	vld.idx.msk [tilespmem:v42+s11+$0x0], $0xffff;
	[tilespmem:s30+$0x80] =	vst v15  }
0x143: {  	v46 =	vor.u32 $0x13, v5;
	v15 =	vld.idx.msk [tilespmem:v43+s11+$0x0], $0xffff  }
0x144: {  	v47 =	vor.u32 $0x13, v6  }
0x145: {  	[tilespmem:s23+$0x100] =	vst v9  }
0x146: {  	v9 =	vld.idx.msk [tilespmem:v44+s11+$0x0], $0xffff;
	[tilespmem:s24+$0x100] =	vst v11  }
0x147: {  	v48 =	vor.u32 $0x14, v3;
	v11 =	vld.idx.msk [tilespmem:v45+s11+$0x0], $0xffff;
	[tilespmem:s26+$0x100] =	vst v13  }
0x148: {  	v49 =	vor.u32 $0x14, v4;
	v13 =	vld.idx.msk [tilespmem:v46+s11+$0x0], $0xffff;
	[tilespmem:s30+$0x100] =	vst v15  }
0x149: {  	v50 =	vor.u32 $0x14, v5;
	v15 =	vld.idx.msk [tilespmem:v47+s11+$0x0], $0xffff  }
0x14a: {  	v51 =	vor.u32 $0x14, v6  }
0x14b: {  	[tilespmem:s23+$0x180] =	vst v9  }
0x14c: {  	v9 =	vld.idx.msk [tilespmem:v48+s11+$0x0], $0xffff;
	[tilespmem:s24+$0x180] =	vst v11  }
0x14d: {  	v52 =	vor.u32 $0x15, v3;
	v11 =	vld.idx.msk [tilespmem:v49+s11+$0x0], $0xffff;
	[tilespmem:s26+$0x180] =	vst v13  }
0x14e: {  	v53 =	vor.u32 $0x15, v4;
	v13 =	vld.idx.msk [tilespmem:v50+s11+$0x0], $0xffff;
	[tilespmem:s30+$0x180] =	vst v15  }
0x14f: {  	v54 =	vor.u32 $0x15, v5;
	v15 =	vld.idx.msk [tilespmem:v51+s11+$0x0], $0xffff  }
0x150: {  	v55 =	vor.u32 $0x15, v6  }
0x151: {  	[tilespmem:s23+$0x200] =	vst v9  }
0x152: {  	v56 =	vor.u32 $0x16, v2;
	v10 =	vld.idx.msk [tilespmem:v52+s11+$0x0], $0xffff;
	[tilespmem:s24+$0x200] =	vst v11  }
0x153: {  	v57 =	vor.u32 $0x16, v3;
	v12 =	vld.idx.msk [tilespmem:v53+s11+$0x0], $0xffff;
	[tilespmem:s26+$0x200] =	vst v13  }
0x154: {  	v58 =	vor.u32 $0x16, v4;
	v14 =	vld.idx.msk [tilespmem:v54+s11+$0x0], $0xffff;
	[tilespmem:s30+$0x200] =	vst v15  }
0x155: {  	v59 =	vor.u32 $0x16, v5;
	v16 =	vld.idx.msk [tilespmem:v55+s11+$0x0], $0xffff  }
0x156: {  	[tilespmem:s22+$0x280] =	vst v8;
	v60 =	vor.u32 $0x16, v6  }
0x157: {  	v9 =	vld.idx.msk [tilespmem:v56+s11+$0x0], $0xffff;
	[tilespmem:s23+$0x280] =	vst v10  }
0x158: {  	v11 =	vld.idx.msk [tilespmem:v57+s11+$0x0], $0xffff;
	v61 =	vor.u32 $0x17, v2;
	[tilespmem:s24+$0x280] =	vst v12  }
0x159: {  	v62 =	vor.u32 $0x17, v3;
	v13 =	vld.idx.msk [tilespmem:v58+s11+$0x0], $0xffff;
	[tilespmem:s26+$0x280] =	vst v14  }
0x15a: {  	v63 =	vor.u32 $0x17, v4;
	v15 =	vld.idx.msk [tilespmem:v59+s11+$0x0], $0xffff;
	[tilespmem:s30+$0x280] =	vst v16  }
0x15b: {  	v20 =	vor.u32 $0x17, v5;
	v8 =	vld.idx.msk [tilespmem:v60+s11+$0x0], $0xffff  }
0x15c: {  	v21 =	vor.u32 $0x17, v6;
	[tilespmem:s22+$0x300] =	vst v9  }
0x15d: {  	[tilespmem:s23+$0x300] =	vst v11;
	v10 =	vld.idx.msk [tilespmem:v61+s11+$0x0], $0xffff  }
0x15e: {  	v22 =	vor.u32 $0x18, v2;
	v12 =	vld.idx.msk [tilespmem:v62+s11+$0x0], $0xffff;
	[tilespmem:s24+$0x300] =	vst v13  }
0x15f: {  	v23 =	vor.u32 $0x18, v3;
	v14 =	vld.idx.msk [tilespmem:v63+s11+$0x0], $0xffff;
	[tilespmem:s26+$0x300] =	vst v15  }
0x160: {  	v24 =	vor.u32 $0x18, v4;
	v16 =	vld.idx.msk [tilespmem:v20+s11+$0x0], $0xffff;
	[tilespmem:s30+$0x300] =	vst v8  }
0x161: {  	v25 =	vor.u32 $0x18, v5;
	v9 =	vld.idx.msk [tilespmem:v21+s11+$0x0], $0xffff  }
0x162: {  	[tilespmem:s22+$0x380] =	vst v10;
	v26 =	vor.u32 $0x18, v6  }
0x163: {  	[tilespmem:s23+$0x380] =	vst v12;
	v11 =	vld.idx.msk [tilespmem:v22+s11+$0x0], $0xffff  }
0x164: {  	v27 =	vor.u32 $0x19, v2;
	v13 =	vld.idx.msk [tilespmem:v23+s11+$0x0], $0xffff;
	[tilespmem:s24+$0x380] =	vst v14  }
0x165: {  	v28 =	vor.u32 $0x19, v3;
	v15 =	vld.idx.msk [tilespmem:v24+s11+$0x0], $0xffff;
	[tilespmem:s26+$0x380] =	vst v16  }
0x166: {  	v29 =	vor.u32 $0x19, v4;
	v8 =	vld.idx.msk [tilespmem:v25+s11+$0x0], $0xffff;
	[tilespmem:s30+$0x380] =	vst v9  }
0x167: {  	v30 =	vor.u32 $0x19, v5;
	v10 =	vld.idx.msk [tilespmem:v26+s11+$0x0], $0xffff  }
0x168: {  	v31 =	vor.u32 $0x19, v6;
	[tilespmem:s22+$0x400] =	vst v11  }
0x169: {  	v12 =	vld.idx.msk [tilespmem:v27+s11+$0x0], $0xffff;
	[tilespmem:s23+$0x400] =	vst v13  }
0x16a: {  	v32 =	vor.u32 $0x1A, v2;
	v14 =	vld.idx.msk [tilespmem:v28+s11+$0x0], $0xffff;
	[tilespmem:s24+$0x400] =	vst v15  }
0x16b: {  	v33 =	vor.u32 $0x1A, v3;
	v16 =	vld.idx.msk [tilespmem:v29+s11+$0x0], $0xffff;
	[tilespmem:s26+$0x400] =	vst v8  }
0x16c: {  	v34 =	vor.u32 $0x1A, v4;
	v9 =	vld.idx.msk [tilespmem:v30+s11+$0x0], $0xffff;
	[tilespmem:s30+$0x400] =	vst v10  }
0x16d: {  	v35 =	vor.u32 $0x1A, v5;
	v11 =	vld.idx.msk [tilespmem:v31+s11+$0x0], $0xffff  }
0x16e: {  	v36 =	vor.u32 $0x1A, v6;
	[tilespmem:s22+$0x480] =	vst v12  }
0x16f: {  	v13 =	vld.idx.msk [tilespmem:v32+s11+$0x0], $0xffff;
	[tilespmem:s23+$0x480] =	vst v14  }
0x170: {  	v37 =	vor.u32 $0x1B, v2;
	v15 =	vld.idx.msk [tilespmem:v33+s11+$0x0], $0xffff;
	[tilespmem:s24+$0x480] =	vst v16  }
0x171: {  	v38 =	vor.u32 $0x1B, v3;
	v8 =	vld.idx.msk [tilespmem:v34+s11+$0x0], $0xffff;
	[tilespmem:s26+$0x480] =	vst v9  }
0x172: {  	v39 =	vor.u32 $0x1B, v4;
	v10 =	vld.idx.msk [tilespmem:v35+s11+$0x0], $0xffff;
	[tilespmem:s30+$0x480] =	vst v11  }
0x173: {  	v40 =	vor.u32 $0x1B, v5;
	v12 =	vld.idx.msk [tilespmem:v36+s11+$0x0], $0xffff  }
0x174: {  	v7 =	vld.idx.msk [tilespmem:v7+s11+$0x0], $0xffff;
	v41 =	vor.u32 $0x1B, v6;
	[tilespmem:s22+$0x500] =	vst v13  }
0x175: {  	v42 =	vor.u32 $0x1C, v1;
	v14 =	vld.idx.msk [tilespmem:v37+s11+$0x0], $0xffff;
	[tilespmem:s23+$0x500] =	vst v15  }
0x176: {  	v43 =	vor.u32 $0x1C, v2;
	v16 =	vld.idx.msk [tilespmem:v38+s11+$0x0], $0xffff;
	[tilespmem:s24+$0x500] =	vst v8  }
0x177: {  	v44 =	vor.u32 $0x1C, v3;
	v9 =	vld.idx.msk [tilespmem:v39+s11+$0x0], $0xffff;
	[tilespmem:s26+$0x500] =	vst v10  }
0x178: {  	v45 =	vor.u32 $0x1C, v4;
	v11 =	vld.idx.msk [tilespmem:v40+s11+$0x0], $0xffff;
	[tilespmem:s30+$0x500] =	vst v12  }
0x179: {  	[tilespmem:s21+$0x580] =	vst v7;
	v46 =	vor.u32 $0x1C, v5;
	v13 =	vld.idx.msk [tilespmem:v41+s11+$0x0], $0xffff  }
0x17a: {  	[tilespmem:s22+$0x580] =	vst v14;
	v47 =	vor.u32 $0x1C, v6;
	v15 =	vld.idx.msk [tilespmem:v42+s11+$0x0], $0xffff  }
0x17b: {  	v48 =	vor.u32 $0x1D, v1;
	[tilespmem:s23+$0x580] =	vst v16;
	v8 =	vld.idx.msk [tilespmem:v43+s11+$0x0], $0xffff  }
0x17c: {  	v49 =	vor.u32 $0x1D, v2;
	[tilespmem:s24+$0x580] =	vst v9;
	v10 =	vld.idx.msk [tilespmem:v44+s11+$0x0], $0xffff  }
0x17d: {  	v50 =	vor.u32 $0x1D, v3;
	[tilespmem:s26+$0x580] =	vst v11;
	v12 =	vld.idx.msk [tilespmem:v45+s11+$0x0], $0xffff  }
0x17e: {  	v51 =	vor.u32 $0x1D, v4;
	v7 =	vld.idx.msk [tilespmem:v46+s11+$0x0], $0xffff;
	[tilespmem:s30+$0x580] =	vst v13  }
0x17f: {  	v52 =	vor.u32 $0x1D, v5;
	[tilespmem:s21+$0x600] =	vst v15;
	v14 =	vld.idx.msk [tilespmem:v47+s11+$0x0], $0xffff  }
0x180: {  	v53 =	vor.u32 $0x1D, v6;
	v16 =	vld.idx.msk [tilespmem:v48+s11+$0x0], $0xffff;
	[tilespmem:s22+$0x600] =	vst v8  }
0x181: {  	v54 =	vor.u32 $0x1E, v1;
	v9 =	vld.idx.msk [tilespmem:v49+s11+$0x0], $0xffff;
	[tilespmem:s23+$0x600] =	vst v10  }
0x182: {  	v55 =	vor.u32 $0x1E, v2;
	v11 =	vld.idx.msk [tilespmem:v50+s11+$0x0], $0xffff;
	[tilespmem:s24+$0x600] =	vst v12  }
0x183: {  	v56 =	vor.u32 $0x1E, v3;
	[tilespmem:s26+$0x600] =	vst v7;
	v13 =	vld.idx.msk [tilespmem:v51+s11+$0x0], $0xffff  }
0x184: {  	v57 =	vor.u32 $0x1E, v4;
	v15 =	vld.idx.msk [tilespmem:v52+s11+$0x0], $0xffff;
	[tilespmem:s30+$0x600] =	vst v14  }
0x185: {  	v58 =	vor.u32 $0x1E, v5;
	[tilespmem:s21+$0x680] =	vst v16;
	v8 =	vld.idx.msk [tilespmem:v53+s11+$0x0], $0xffff  }
0x186: {  	v59 =	vor.u32 $0x1E, v6;
	[tilespmem:s22+$0x680] =	vst v9;
	v10 =	vld.idx.msk [tilespmem:v54+s11+$0x0], $0xffff  }
0x187: {  	v1 =	vor.u32 $0x1F, v1;
	[tilespmem:s23+$0x680] =	vst v11;
	v12 =	vld.idx.msk [tilespmem:v55+s11+$0x0], $0xffff  }
0x188: {  	v2 =	vor.u32 $0x1F, v2;
	v7 =	vld.idx.msk [tilespmem:v56+s11+$0x0], $0xffff;
	[tilespmem:s24+$0x680] =	vst v13  }
0x189: {  	v3 =	vor.u32 $0x1F, v3;
	[tilespmem:s26+$0x680] =	vst v15;
	v60 =	vld.idx.msk [tilespmem:v57+s11+$0x0], $0xffff  }
0x18a: {  	v61 =	vor.u32 $0x1F, v4;
	v62 =	vld.idx.msk [tilespmem:v58+s11+$0x0], $0xffff;
	[tilespmem:s30+$0x680] =	vst v8  }
0x18b: {  	v63 =	vor.u32 $0x1F, v5;
	[tilespmem:s21+$0x700] =	vst v10;
	v8 =	vld.idx.msk [tilespmem:v59+s11+$0x0], $0xffff  }
0x18c: {  	v6 =	vor.u32 $0x1F, v6;
	v1 =	vld.idx.msk [tilespmem:v1+s11+$0x0], $0xffff;
	[tilespmem:s22+$0x700] =	vst v12  }
0x18d: {  	[tilespmem:s23+$0x700] =	vst v7;
	v2 =	vld.idx.msk [tilespmem:v2+s11+$0x0], $0xffff  }
0x18e: {  	v3 =	vld.idx.msk [tilespmem:v3+s11+$0x0], $0xffff;
	[tilespmem:s24+$0x700] =	vst v60  }
0x18f: {  	[tilespmem:s26+$0x700] =	vst v62;
	v4 =	vld.idx.msk [tilespmem:v61+s11+$0x0], $0xffff  }
0x190: {  	v5 =	vld.idx.msk [tilespmem:v63+s11+$0x0], $0xffff;
	[tilespmem:s30+$0x700] =	vst v8  }
0x191: {  	[tilespmem:s21+$0x780] =	vst v1;
	v1 =	vld.idx.msk [tilespmem:v6+s11+$0x0], $0xffff  }
0x192: {  	s31 =	sadd.s32 s6, s19;
	p1 =	sne.s32 s18, $0x68;
	[tilespmem:s22+$0x780] =	vst v2  }
.Ltmp2:
0x193: {  	s1 =	sshll.u32 s31, $0x7;
	[tilespmem:s23+$0x780] =	vst v3;
	(pc) =	sbr.rel @p1 .LBB2_4-.Ltmp2, $4  }
0x194: {  	s0 =	sshll.u32 s31, $0x9;
	s1 =	sand.u32 $0x3F80, s1;
	[tilespmem:s24+$0x780] =	vst v4  }
0x195: {  	s17 =	sadd.s32 $0x80, s17;
	s0 =	sand.u32 $0xFFF0000, s0;
	s1 =	sadd.s32 s2, s1;
	[tilespmem:s26+$0x780] =	vst v5  }
0x196: {  	p0 =	por !p0, !p0;
	s19 =	smov.u32 s18;
	s0 =	sadd.s32 s0, s1;
	[tilespmem:s30+$0x780] =	vst v1  }
0x197: {  	[hbm4b:s0+s12] =	stream.strided.scatter [tilespmem:s25], [sflag:s20], $0x1000, s13, s12, $0x38;
	[tilespmem:$0x10800] =	vst v63  }
0x198: {  	s16 =	sadd.s32 $0x1, s16  }
0x199: {  	_ =	swait.ge [sflag:s14], $0x1000;
	p0 =	sne.s32 s16, s7  }
.Ltmp3:
0x19a: {  	[sflag:s14] =	ssyncset.done $0x0;
	(pc) =	sbr.rel @p0 .LBB2_1-.Ltmp3, $4  }
0x19b: {  	[sflag:s14] =	ssyncadd.s32 $0xFFFFF000  }
0x19c: {  	_ =	swait.ge [sflag:s15], $0x1000  }
0x19d: {  	[sflag:s15] =	ssyncset.done $0x0  }
0x19e: {  	[sflag:s15] =	ssyncadd.s32 $0xFFFFF000  }
0x19f: {  	_ =	sfence.sel $0x180000  }
0x1a0: {  	[bflag:$0x0] =	sbarrier.arrive $0xFFFF  }
0x1a1: {  	_ =	strace $0x90000047  }
0x1a2: {  	s0 =	stileid.u32;
	[bflag:$0x2] =	sbarrier.arrive $0xFFFF  }
0x1a3: {  	p0 =	sne.s32 s0, $0x0;
	s0 =	rddreg [dreg:$0x2]  }
0x1a4: {  	s0 =	sadd.s32 @!p0 $0x100000, s0  }
0x1a5: {  	[sflag:s0] =	ssyncadd.tile.s32 @!p0 $0x1;
	_ =	shalt  }
.Lfunc_end2:
_tile_overlayer_lowered:
.L_overlay_start_2:
0x1a6: {  	(tag) =	ssettag $0x2  }
0x1a7: {  	s0 =	rddreg [dreg:$0x0];
	s2 =	stileid.u32  }
0x1a8: {  	s1 =	rddreg [dreg:$0x1];
	p0 =	sne.s32 s2, $0x0  }
0x1a9: {  	s3 =	rddreg [dreg:$0x2];
	[bflag:$0x3] =	sbarrier.arrive $0xFFFF;
	s2 =	simm.s32 @!p0 $0x1C05  }
0x1aa: {  	[timem:s3], [sflag:s2] =	dma.local @!p0 [hbm:s0], s1  }
0x1ab: {  	s0 =	simm.s32 @!p0 $0x5  }
0x1ac: {  	_ =	swait.ge @!p0 [sflag:s0], s1  }
0x1ad: {  	s1 =	ssub.s32 @!p0 $0x0, s1;
	[sflag:s0] =	ssyncset.done @!p0 $0x0  }
0x1ae: {  	[sflag:s0] =	ssyncadd.s32 @!p0 s1  }
0x1af: {  	[bflag:$0x3] =	sbarrier.arrive $0xFFFF  }
0x1b0: {  	_ =	shalt  }

</sc_bundles>
